<compile_context>
chip_gen: v7x
topology: tpu7x:2x2x1
jax: 0.10.2.dev20260603
libtpu: 0.0.44.dev20260713+nightly
codegen_flags: <defaults>
</compile_context>

<pallas_src>
import jax
import jax.numpy as jnp
from jax import lax
from jax.experimental import pallas as pl
from jax.experimental.pallas import tpu as pltpu
from jax.experimental.pallas import tpu_sc as plsc

VOCAB = 1000000
EMBED = 32
BATCH = 4096
SEQ = 200

_INFO = plsc.get_sparse_core_info()
_NC = _INFO.num_cores
_NS = _INFO.num_subcores
_L = _INFO.num_lanes
_NW = _NC * _NS
_BPW = BATCH // _NW
_IPW = _BPW * SEQ
_CH = 128
_NCH = _IPW // _CH

_TC_ROWS = 32768


def _tc_body(w_ref, table_ref, t_ref):
    t_ref[...] = jax.lax.dot_general(
        w_ref[...], table_ref[...], (((1,), (1,)), ((), ())),
        preferred_element_type=jnp.float32)[0, :]


def _tc_matvec(table, w_row):
    grid = pl.cdiv(VOCAB, _TC_ROWS)
    return pl.pallas_call(
        _tc_body,
        grid=(grid,),
        in_specs=[
            pl.BlockSpec((1, EMBED), lambda i: (0, 0)),
            pl.BlockSpec((_TC_ROWS, EMBED), lambda i: (i, 0)),
        ],
        out_specs=pl.BlockSpec((_TC_ROWS,), lambda i: (i,)),
        out_shape=jax.ShapeDtypeStruct((VOCAB,), jnp.float32),
    )(w_row, table)


_P1_CHUNK = 384
_P1_NCH = 999936 // _P1_CHUNK
_P1_GMAX = (_P1_NCH + _NW - 1) // _NW
_P1_TAIL = 999936
_T_PAD = 1000064


def _p1_body(w_hbm, table_hbm, t_hbm, w_v, buf0, buf1, tch0, tch1,
             sem0, sem1):
    wid = lax.axis_index("s") * _NC + lax.axis_index("c")
    pltpu.sync_copy(w_hbm, w_v)
    lanes = lax.iota(jnp.int32, _L)
    w0 = w_v[pl.ds(0, _L)]
    w1 = w_v[pl.ds(_L, _L)]
    zero = jnp.zeros((_L,), jnp.float32)

    def dot_rows(buf, tch, nrows):
        def row(r, lanevec):
            v = buf[r, pl.ds(0, _L)] * w0 + buf[r, pl.ds(_L, _L)] * w1
            s = jnp.sum(v)
            lanevec = jnp.where(lanes == r % _L, s, lanevec)

            @pl.when(r % _L == _L - 1)
            def _():
                tch[pl.ds(pl.multiple_of((r // _L) * _L, 8), _L)] = lanevec

            return lanevec

        lax.fori_loop(0, nrows, row, zero)

    def row_slice(g):
        c = wid + _NW * g
        return c, pl.ds(pl.multiple_of(c * _P1_CHUNK, 128), _P1_CHUNK)

    def issue(g, buf, sem):
        c, sl = row_slice(g)

        @pl.when(c < _P1_NCH)
        def _():
            pltpu.async_copy(table_hbm.at[sl], buf, sem)

    def process(g, buf, tch, sem):
        c, sl = row_slice(g)

        @pl.when(c < _P1_NCH)
        def _():
            pltpu.make_async_copy(table_hbm.at[sl], buf, sem).wait()
            dot_rows(buf, tch, _P1_CHUNK)
            pltpu.sync_copy(tch, t_hbm.at[sl])
            issue(g + 2, buf, sem)

    issue(jnp.int32(0), buf0, sem0)
    issue(jnp.int32(1), buf1, sem1)

    def outer(gg, carry):
        process(2 * gg, buf0, tch0, sem0)
        process(2 * gg + 1, buf1, tch1, sem1)
        return carry

    lax.fori_loop(0, (_P1_GMAX + 1) // 2, outer, 0)

    @pl.when(wid == _NW - 1)
    def _():
        pltpu.sync_copy(table_hbm.at[pl.ds(_P1_TAIL, 64)],
                        buf0.at[pl.ds(0, 64)])
        dot_rows(buf0, tch0, 64)
        pltpu.sync_copy(tch0.at[pl.ds(0, 128)],
                        t_hbm.at[pl.ds(_P1_TAIL, 128)])


def _sc_matvec(w_flat, table):
    mesh = plsc.VectorSubcoreMesh(core_axis_name="c", subcore_axis_name="s")
    return pl.kernel(
        _p1_body,
        jax.ShapeDtypeStruct((_T_PAD,), jnp.float32),
        mesh=mesh,
        scratch_types=[
            pltpu.VMEM((EMBED,), jnp.float32),
            pltpu.VMEM((_P1_CHUNK, EMBED), jnp.float32),
            pltpu.VMEM((_P1_CHUNK, EMBED), jnp.float32),
            pltpu.VMEM((_P1_CHUNK,), jnp.float32),
            pltpu.VMEM((_P1_CHUNK,), jnp.float32),
            pltpu.SemaphoreType.DMA,
            pltpu.SemaphoreType.DMA,
        ],
        compiler_params=pltpu.CompilerParams(
            needs_layout_passes=False, use_tc_tiling_on_sc=True),
    )(w_flat, table)


def _sc_body(x_hbm, params_hbm, t_hbm, out_hbm, idx_v, params_v, vals_v,
             outs_v, sem):
    wid = lax.axis_index("s") * _NC + lax.axis_index("c")
    base = wid * _IPW

    pltpu.sync_copy(x_hbm.at[pl.ds(base, _IPW)], idx_v)
    pltpu.sync_copy(params_hbm, params_v)
    bias_v = params_v[pl.ds(0, _L)]

    def fire(c, carry):
        off = pl.multiple_of(c * _CH, 8)
        pltpu.async_copy(
            t_hbm.at[idx_v.at[pl.ds(off, _CH)]], vals_v.at[pl.ds(off, _CH)],
            sem)
        return carry

    lax.fori_loop(0, _NCH, fire, 0)
    pltpu.make_async_copy(t_hbm.at[idx_v], vals_v, sem).wait()

    lanes = lax.iota(jnp.int32, _L)
    nfull = SEQ // _L
    tail_keep = lanes >= (_L - SEQ % _L)
    zero = jnp.zeros((_L,), jnp.float32)

    def elem(e, lanevec):
        off = pl.multiple_of(e * SEQ, 8)
        acc = zero
        for k in range(nfull):
            acc = acc + vals_v[pl.ds(off + k * _L, _L)]
        tail = vals_v[pl.ds(off + SEQ - _L, _L)]
        acc = acc + jnp.where(tail_keep, tail, zero)
        s = jnp.sum(acc)
        lanevec = jnp.where(lanes == e % _L, s, lanevec)

        @pl.when(e % _L == _L - 1)
        def _():
            outs_v[pl.ds(pl.multiple_of((e // _L) * _L, _L), _L)] = lanevec

        return lanevec

    lax.fori_loop(0, _BPW, elem, zero)

    one = jnp.float32(1.0)
    for k in range(_BPW // _L):
        z = outs_v[pl.ds(k * _L, _L)] + bias_v
        outs_v[pl.ds(k * _L, _L)] = one / (one + jnp.exp(-z))

    pltpu.sync_copy(outs_v, out_hbm.at[pl.ds(wid * _BPW, _BPW)])


def _sc_gather(x_flat, params, t):
    mesh = plsc.VectorSubcoreMesh(core_axis_name="c", subcore_axis_name="s")
    return pl.kernel(
        _sc_body,
        jax.ShapeDtypeStruct((BATCH,), jnp.float32),
        mesh=mesh,
        scratch_types=[
            pltpu.VMEM((_IPW,), jnp.int32),
            pltpu.VMEM((_L,), jnp.float32),
            pltpu.VMEM((_IPW,), jnp.float32),
            pltpu.VMEM((_BPW,), jnp.float32),
            pltpu.SemaphoreType.DMA,
        ],
        compiler_params=pltpu.CompilerParams(
            needs_layout_passes=False, use_tc_tiling_on_sc=False),
    )(x_flat, params, t)


@jax.jit
def _run(x, emb_table, fc_w, fc_b):
    x_flat = x.reshape(-1).astype(jnp.int32)
    w_flat = fc_w.reshape(EMBED) * jnp.float32(1.0 / SEQ)
    params = jnp.broadcast_to(fc_b.reshape(-1), (_L,))
    t = _sc_matvec(w_flat, emb_table)
    return _sc_gather(x_flat, params, t)


def kernel(x, emb_table, fc_w, fc_b):
    return _run(x, emb_table, fc_w, fc_b).reshape(BATCH, 1)

# --- scband reference (transcript-rebuilt; emitter-appended) ---
"""Pipeline reference for scband-sentiment-classifier-36266703847729 (READ-ONLY COPY).

The authoritative reference and input builder live on the scoring server;
editing this copy changes nothing except your own understanding.
"""

import jax, jax.numpy as jnp
import numpy as np

VOCAB = 1000000
EMBED = 32
BATCH = 4096
SEQ = 200

def setup_inputs(seed: int = 0) -> dict:
    key = jax.random.key(seed)
    k1, k2, k3, k4 = jax.random.split(key, 4)
    x = jax.random.randint(k1, (BATCH, SEQ), 0, VOCAB, dtype=jnp.int64) if jax.config.read('jax_enable_x64') else jax.random.randint(k1, (BATCH, SEQ), 0, VOCAB, dtype=jnp.int32)
    emb_table = jax.random.normal(k2, (VOCAB, EMBED), dtype=jnp.float32)
    fc_w = jax.random.normal(k3, (EMBED, 1), dtype=jnp.float32) * (1.0 / np.sqrt(EMBED))
    fc_b = jnp.zeros((1,), dtype=jnp.float32)
    return {"x": x, "emb_table": emb_table, "fc_w": fc_w, "fc_b": fc_b}

def reference(x, emb_table, fc_w, fc_b):
    # embedding lookup: gather rows of the table
    e = jnp.take(emb_table, x, axis=0)           # [B, L, D]
    pooled = jnp.mean(e, axis=1)                 # [B, D]
    logits = pooled @ fc_w + fc_b                # [B, 1]
    return jax.nn.sigmoid(logits)

if __name__ == "__main__":
    import jax
    _d = setup_inputs()
    print(jax.jit(kernel)(*tuple(_d.values())))

</pallas_src>

<mosaic_0001>
#map = affine_map<(d0, d1) -> (0)>
#map1 = affine_map<(d0, d1) -> (0, 0)>
module attributes {stable_mosaic.version = 14 : i64} {
  func.func @_p1_body(%arg0: i32, %arg1: i32, %arg2: memref<32xf32, #tpu.memory_space<hbm>>, %arg3: memref<1000000x32xf32, #tpu.memory_space<hbm>>, %arg4: memref<1000064xf32, #tpu.memory_space<hbm>>, %arg5: memref<32xf32, #tpu.memory_space<vmem>>, %arg6: memref<384x32xf32, #tpu.memory_space<vmem>>, %arg7: memref<384x32xf32, #tpu.memory_space<vmem>>, %arg8: memref<384xf32, #tpu.memory_space<vmem>>, %arg9: memref<384xf32, #tpu.memory_space<vmem>>, %arg10: memref<!tpu.dma_semaphore, #tpu.memory_space<semaphore_mem>>, %arg11: memref<!tpu.dma_semaphore, #tpu.memory_space<semaphore_mem>>) attributes {dimension_semantics = [#tpu.dimension_semantics<core_parallel>, #tpu.dimension_semantics<subcore_parallel>], iteration_bounds = array<i64: 2, 16>, scalar_prefetch = 0 : i64, scratch_operands = 7 : i64, tpu.core_type = #tpu.core_type<sc_vector_subcore>, window_params = [{transform_indices = #map}, {transform_indices = #map1}, {transform_indices = #map}]} {
    %mul3A = arith.constant 2 : i32
    %mul3A_0 = arith.muli %arg1, %mul3A : i32
    %add3A = arith.addi %mul3A_0, %arg0 : i32
    "tpu.region"() ({
      %run_scoped3A = tpu.sem_alloc : memref<!tpu.dma_semaphore, #tpu.memory_space<semaphore_mem>>
      tpu.enqueue_dma source(%arg2 : memref<32xf32, #tpu.memory_space<hbm>>) target(%arg5 : memref<32xf32, #tpu.memory_space<vmem>>) target_semaphore(%run_scoped3A : memref<!tpu.dma_semaphore, #tpu.memory_space<semaphore_mem>>)
      tpu.wait_dma2 semaphore(%run_scoped3A : memref<!tpu.dma_semaphore, #tpu.memory_space<semaphore_mem>>) src(%arg2 : memref<32xf32, #tpu.memory_space<hbm>>) dst(%arg5 : memref<32xf32, #tpu.memory_space<vmem>>)
      tpu.yield
    }) : () -> ()
    %iota3A = tpu.iota {dimensions = array<i32: 0>} : vector<16xi32>
    %get3A = arith.constant 0 : index
    %get3A_1 = tpu.vector_load %arg5[%get3A] {strides = array<i32>} : memref<32xf32, #tpu.memory_space<vmem>>, vector<16xf32>,
    %get3A_2 = arith.constant 16 : index
    %get3A_3 = tpu.vector_load %arg5[%get3A_2] {strides = array<i32>} : memref<32xf32, #tpu.memory_space<vmem>>, vector<16xf32>,
    %broadcast_in_dim3A = arith.constant 0.000000e+00 : f32
    %broadcast_in_dim3A_4 = vector.broadcast %broadcast_in_dim3A : f32 to vector<16xf32>
    %mul3A_5 = arith.constant 32 : i32
    %mul3A_6 = arith.constant 0 : i32
    %mul3A_7 = arith.muli %mul3A_5, %mul3A_6 : i32
    %add3A_8 = arith.addi %add3A, %mul3A_7 : i32
    %mul3A_9 = arith.constant 384 : i32
    %mul3A_10 = arith.muli %add3A_8, %mul3A_9 : i32
    %multiple_of3A = tpu.assume_multiple %mul3A_10, 128 : i32
    %lt3A = arith.constant 2604 : i32
    %lt3A_11 = arith.cmpi slt, %add3A_8, %lt3A : i32
    %convert_element_type3A = arith.extui %lt3A_11 : i1 to i32
    %cond3A = arith.constant 0 : i32
    %cond3A_12 = arith.cmpi ne, %convert_element_type3A, %cond3A : i32
    scf.if %cond3A_12 {
      %dma_start3A = arith.constant 0 : i32
      %dma_start3A_34 = tpu.memref_slice %arg3[%multiple_of3A, %dma_start3A] : memref<1000000x32xf32, #tpu.memory_space<hbm>> -> memref<384x32xf32, #tpu.memory_space<hbm>>
      %dma_start3A_35 = arith.constant 0 : i32
      %dma_start3A_36 = tpu.memref_slice %arg3[%multiple_of3A, %dma_start3A_35] : memref<1000000x32xf32, #tpu.memory_space<hbm>> -> memref<384x32xf32, #tpu.memory_space<hbm>>
      tpu.enqueue_dma source(%dma_start3A_36 : memref<384x32xf32, #tpu.memory_space<hbm>>) target(%arg6 : memref<384x32xf32, #tpu.memory_space<vmem>>) target_semaphore(%arg10 : memref<!tpu.dma_semaphore, #tpu.memory_space<semaphore_mem>>)
    } else {
    }
    %mul3A_13 = arith.constant 32 : i32
    %mul3A_14 = arith.constant 1 : i32
    %mul3A_15 = arith.muli %mul3A_13, %mul3A_14 : i32
    %add3A_16 = arith.addi %add3A, %mul3A_15 : i32
    %mul3A_17 = arith.constant 384 : i32
    %mul3A_18 = arith.muli %add3A_16, %mul3A_17 : i32
    %multiple_of3A_19 = tpu.assume_multiple %mul3A_18, 128 : i32
    %lt3A_20 = arith.constant 2604 : i32
    %lt3A_21 = arith.cmpi slt, %add3A_16, %lt3A_20 : i32
    %convert_element_type3A_22 = arith.extui %lt3A_21 : i1 to i32
    %cond3A_23 = arith.constant 0 : i32
    %cond3A_24 = arith.cmpi ne, %convert_element_type3A_22, %cond3A_23 : i32
    scf.if %cond3A_24 {
      %dma_start3A = arith.constant 0 : i32
      %dma_start3A_34 = tpu.memref_slice %arg3[%multiple_of3A_19, %dma_start3A] : memref<1000000x32xf32, #tpu.memory_space<hbm>> -> memref<384x32xf32, #tpu.memory_space<hbm>>
      %dma_start3A_35 = arith.constant 0 : i32
      %dma_start3A_36 = tpu.memref_slice %arg3[%multiple_of3A_19, %dma_start3A_35] : memref<1000000x32xf32, #tpu.memory_space<hbm>> -> memref<384x32xf32, #tpu.memory_space<hbm>>
      tpu.enqueue_dma source(%dma_start3A_36 : memref<384x32xf32, #tpu.memory_space<hbm>>) target(%arg7 : memref<384x32xf32, #tpu.memory_space<vmem>>) target_semaphore(%arg11 : memref<!tpu.dma_semaphore, #tpu.memory_space<semaphore_mem>>)
    } else {
    }
    %scan3A = arith.constant 0 : i32
    %scan3A_25 = arith.constant 0 : i32
    %scan3A_26 = arith.constant 41 : i32
    %scan3A_27 = arith.addi %scan3A_25, %scan3A_26 : i32
    %scan3A_28 = arith.constant 1 : i32
    scf.for %scan3A_34 = %scan3A_25 to %scan3A_27 step %scan3A_28  : i32 {
      %mul3A_35 = arith.constant 2 : i32
      %mul3A_36 = arith.muli %mul3A_35, %scan3A_34 : i32
      %mul3A_37 = arith.constant 32 : i32
      %mul3A_38 = arith.muli %mul3A_37, %mul3A_36 : i32
      %add3A_39 = arith.addi %add3A, %mul3A_38 : i32
      %mul3A_40 = arith.constant 384 : i32
      %mul3A_41 = arith.muli %add3A_39, %mul3A_40 : i32
      %multiple_of3A_42 = tpu.assume_multiple %mul3A_41, 128 : i32
      %lt3A_43 = arith.constant 2604 : i32
      %lt3A_44 = arith.cmpi slt, %add3A_39, %lt3A_43 : i32
      %convert_element_type3A_45 = arith.extui %lt3A_44 : i1 to i32
      %cond3A_46 = arith.constant 0 : i32
      %cond3A_47 = arith.cmpi ne, %convert_element_type3A_45, %cond3A_46 : i32
      scf.if %cond3A_47 {
        %dma_wait3A = arith.constant 0 : i32
        %dma_wait3A_63 = tpu.memref_slice %arg3[%multiple_of3A_42, %dma_wait3A] : memref<1000000x32xf32, #tpu.memory_space<hbm>> -> memref<384x32xf32, #tpu.memory_space<hbm>>
        %dma_wait3A_64 = arith.constant 0 : i32
        %dma_wait3A_65 = tpu.memref_slice %arg3[%multiple_of3A_42, %dma_wait3A_64] : memref<1000000x32xf32, #tpu.memory_space<hbm>> -> memref<384x32xf32, #tpu.memory_space<hbm>>
        tpu.wait_dma2 semaphore(%arg10 : memref<!tpu.dma_semaphore, #tpu.memory_space<semaphore_mem>>) src(%dma_wait3A_65 : memref<384x32xf32, #tpu.memory_space<hbm>>) dst(%arg6 : memref<384x32xf32, #tpu.memory_space<vmem>>)
        %scan3A_66 = arith.constant 0 : i32
        %scan3A_67 = arith.constant 384 : i32
        %scan3A_68 = arith.addi %scan3A_66, %scan3A_67 : i32
        %scan3A_69 = arith.constant 1 : i32
        %scan3A_70 = scf.for %scan3A_85 = %scan3A_66 to %scan3A_68 step %scan3A_69 iter_args(%scan3A_86 = %broadcast_in_dim3A_4) -> (vector<16xf32>)  : i32 {
          %get3A_87 = arith.index_cast %scan3A_85 : i32 to index
          %get3A_88 = arith.constant 0 : index
          %get3A_89 = tpu.vector_load %arg6[%get3A_87, %get3A_88] {strides = array<i32>} : memref<384x32xf32, #tpu.memory_space<vmem>>, vector<16xf32>,
          %mul3A_90 = arith.mulf %get3A_89, %get3A_1 : vector<16xf32>
          %get3A_91 = arith.index_cast %scan3A_85 : i32 to index
          %get3A_92 = arith.constant 16 : index
          %get3A_93 = tpu.vector_load %arg6[%get3A_91, %get3A_92] {strides = array<i32>} : memref<384x32xf32, #tpu.memory_space<vmem>>, vector<16xf32>,
          %mul3A_94 = arith.mulf %get3A_93, %get3A_3 : vector<16xf32>
          %add3A_95 = arith.addf %mul3A_90, %mul3A_94 : vector<16xf32>
          %reduce_sum3A = arith.constant true
          %reduce_sum3A_96 = vector.broadcast %reduce_sum3A : i1 to vector<16xi1>
          %reduce_sum3A_97 = tpu.scan <sum>, %add3A_95 masked %reduce_sum3A_96 : vector<16xf32>, vector<16xi1> -> vector<16xf32>
          %reduce_sum3A_98 = vector.extract %reduce_sum3A_97[15] : f32 from vector<16xf32>
          %jit3A = arith.constant 16 : i32
          %eq3A_99 = arith.constant 0 : i32
          %eq3A_100 = arith.cmpi eq, %jit3A, %eq3A_99 : i32
          %jit3A_101 = arith.constant 1 : i32
          %select_n3A = arith.select %eq3A_100, %jit3A_101, %jit3A : i32
          %rem3A = arith.remsi %scan3A_85, %select_n3A : i32
          %ne3A = arith.constant 0 : i32
          %ne3A_102 = arith.cmpi ne, %rem3A, %ne3A : i32
          %lt3A_103 = arith.constant 0 : i32
          %lt3A_104 = arith.cmpi slt, %rem3A, %lt3A_103 : i32
          %lt3A_105 = arith.constant 0 : i32
          %lt3A_106 = arith.cmpi slt, %select_n3A, %lt3A_105 : i32
          %ne3A_107 = arith.xori %lt3A_104, %lt3A_106 : i1
          %and3A = arith.andi %ne3A_107, %ne3A_102 : i1
          %add3A_108 = arith.addi %rem3A, %select_n3A : i32
          %select_n3A_109 = arith.select %and3A, %add3A_108, %rem3A : i32
          %eq3A_110 = vector.broadcast %select_n3A_109 : i32 to vector<16xi32>
          %eq3A_111 = arith.cmpi eq, %iota3A, %eq3A_110 : vector<16xi32>
          %broadcast_in_dim3A_112 = vector.broadcast %reduce_sum3A_98 : f32 to vector<16xf32>
          %select_n3A_113 = arith.select %eq3A_111, %broadcast_in_dim3A_112, %scan3A_86 : vector<16xi1>, vector<16xf32>
          %jit3A_114 = arith.constant 16 : i32
          %eq3A_115 = arith.constant 0 : i32
          %eq3A_116 = arith.cmpi eq, %jit3A_114, %eq3A_115 : i32
          %jit3A_117 = arith.constant 1 : i32
          %select_n3A_118 = arith.select %eq3A_116, %jit3A_117, %jit3A_114 : i32
          %rem3A_119 = arith.remsi %scan3A_85, %select_n3A_118 : i32
          %ne3A_120 = arith.constant 0 : i32
          %ne3A_121 = arith.cmpi ne, %rem3A_119, %ne3A_120 : i32
          %lt3A_122 = arith.constant 0 : i32
          %lt3A_123 = arith.cmpi slt, %rem3A_119, %lt3A_122 : i32
          %lt3A_124 = arith.constant 0 : i32
          %lt3A_125 = arith.cmpi slt, %select_n3A_118, %lt3A_124 : i32
          %ne3A_126 = arith.xori %lt3A_123, %lt3A_125 : i1
          %and3A_127 = arith.andi %ne3A_126, %ne3A_121 : i1
          %add3A_128 = arith.addi %rem3A_119, %select_n3A_118 : i32
          %select_n3A_129 = arith.select %and3A_127, %add3A_128, %rem3A_119 : i32
          %eq3A_130 = arith.constant 15 : i32
          %eq3A_131 = arith.cmpi eq, %select_n3A_129, %eq3A_130 : i32
          %convert_element_type3A_132 = arith.extui %eq3A_131 : i1 to i32
          %cond3A_133 = arith.constant 0 : i32
          %cond3A_134 = arith.cmpi ne, %convert_element_type3A_132, %cond3A_133 : i32
          scf.if %cond3A_134 {
            %jit3A_135 = arith.constant 16 : i32
            %div3A = arith.divsi %scan3A_85, %jit3A_135 : i32
            %sign3A = arith.constant 0 : i32
            %sign3A_136 = arith.cmpi sgt, %scan3A_85, %sign3A : i32
            %sign3A_137 = arith.extui %sign3A_136 : i1 to i32
            %sign3A_138 = arith.constant 0 : i32
            %sign3A_139 = arith.cmpi slt, %scan3A_85, %sign3A_138 : i32
            %sign3A_140 = arith.extui %sign3A_139 : i1 to i32
            %sign3A_141 = arith.subi %sign3A_137, %sign3A_140 : i32
            %sign3A_142 = arith.constant 0 : i32
            %sign3A_143 = arith.cmpi sgt, %jit3A_135, %sign3A_142 : i32
            %sign3A_144 = arith.extui %sign3A_143 : i1 to i32
            %sign3A_145 = arith.constant 0 : i32
            %sign3A_146 = arith.cmpi slt, %jit3A_135, %sign3A_145 : i32
            %sign3A_147 = arith.extui %sign3A_146 : i1 to i32
            %sign3A_148 = arith.subi %sign3A_144, %sign3A_147 : i32
            %ne3A_149 = arith.cmpi ne, %sign3A_141, %sign3A_148 : i32
            %rem3A_150 = arith.remsi %scan3A_85, %jit3A_135 : i32
            %ne3A_151 = arith.constant 0 : i32
            %ne3A_152 = arith.cmpi ne, %rem3A_150, %ne3A_151 : i32
            %and3A_153 = arith.andi %ne3A_149, %ne3A_152 : i1
            %sub3A = arith.constant 1 : i32
            %sub3A_154 = arith.subi %div3A, %sub3A : i32
            %select_n3A_155 = arith.select %and3A_153, %sub3A_154, %div3A : i32
            %mul3A_156 = arith.constant 16 : i32
            %mul3A_157 = arith.muli %select_n3A_155, %mul3A_156 : i32
            %multiple_of3A_158 = tpu.assume_multiple %mul3A_157, 8 : i32
            %swap3A = arith.index_cast %multiple_of3A_158 : i32 to index
            %swap3A_159 = tpu.vector_load %arg8[%swap3A] {strides = array<i32>} : memref<384xf32, #tpu.memory_space<vmem>>, vector<16xf32>,
            tpu.vector_store %arg8[%swap3A], %select_n3A_113 {strides = array<i32>} : memref<384xf32, #tpu.memory_space<vmem>>, vector<16xf32>,
          } else {
          }
          scf.yield %select_n3A_113 : vector<16xf32>
        }
        %scan3A_71 = arith.constant 384 : i32
        "tpu.region"() ({
          %run_scoped3A = tpu.sem_alloc : memref<!tpu.dma_semaphore, #tpu.memory_space<semaphore_mem>>
          %dma_start3A = tpu.memref_slice %arg4[%multiple_of3A_42] : memref<1000064xf32, #tpu.memory_space<hbm>> -> memref<384xf32, #tpu.memory_space<hbm>>
          %dma_start3A_85 = tpu.memref_slice %arg4[%multiple_of3A_42] : memref<1000064xf32, #tpu.memory_space<hbm>> -> memref<384xf32, #tpu.memory_space<hbm>>
          tpu.enqueue_dma source(%arg8 : memref<384xf32, #tpu.memory_space<vmem>>) target(%dma_start3A_85 : memref<384xf32, #tpu.memory_space<hbm>>) target_semaphore(%run_scoped3A : memref<!tpu.dma_semaphore, #tpu.memory_space<semaphore_mem>>)
          %dma_wait3A_86 = tpu.memref_slice %arg4[%multiple_of3A_42] : memref<1000064xf32, #tpu.memory_space<hbm>> -> memref<384xf32, #tpu.memory_space<hbm>>
          %dma_wait3A_87 = tpu.memref_slice %arg4[%multiple_of3A_42] : memref<1000064xf32, #tpu.memory_space<hbm>> -> memref<384xf32, #tpu.memory_space<hbm>>
          tpu.wait_dma2 semaphore(%run_scoped3A : memref<!tpu.dma_semaphore, #tpu.memory_space<semaphore_mem>>) src(%arg8 : memref<384xf32, #tpu.memory_space<vmem>>) dst(%dma_wait3A_87 : memref<384xf32, #tpu.memory_space<hbm>>)
          tpu.yield
        }) : () -> ()
        %add3A_72 = arith.constant 2 : i32
        %add3A_73 = arith.addi %mul3A_36, %add3A_72 : i32
        %mul3A_74 = arith.constant 32 : i32
        %mul3A_75 = arith.muli %mul3A_74, %add3A_73 : i32
        %add3A_76 = arith.addi %add3A, %mul3A_75 : i32
        %mul3A_77 = arith.constant 384 : i32
        %mul3A_78 = arith.muli %add3A_76, %mul3A_77 : i32
        %multiple_of3A_79 = tpu.assume_multiple %mul3A_78, 128 : i32
        %lt3A_80 = arith.constant 2604 : i32
        %lt3A_81 = arith.cmpi slt, %add3A_76, %lt3A_80 : i32
        %convert_element_type3A_82 = arith.extui %lt3A_81 : i1 to i32
        %cond3A_83 = arith.constant 0 : i32
        %cond3A_84 = arith.cmpi ne, %convert_element_type3A_82, %cond3A_83 : i32
        scf.if %cond3A_84 {
          %dma_start3A = arith.constant 0 : i32
          %dma_start3A_85 = tpu.memref_slice %arg3[%multiple_of3A_79, %dma_start3A] : memref<1000000x32xf32, #tpu.memory_space<hbm>> -> memref<384x32xf32, #tpu.memory_space<hbm>>
          %dma_start3A_86 = arith.constant 0 : i32
          %dma_start3A_87 = tpu.memref_slice %arg3[%multiple_of3A_79, %dma_start3A_86] : memref<1000000x32xf32, #tpu.memory_space<hbm>> -> memref<384x32xf32, #tpu.memory_space<hbm>>
          tpu.enqueue_dma source(%dma_start3A_87 : memref<384x32xf32, #tpu.memory_space<hbm>>) target(%arg6 : memref<384x32xf32, #tpu.memory_space<vmem>>) target_semaphore(%arg10 : memref<!tpu.dma_semaphore, #tpu.memory_space<semaphore_mem>>)
        } else {
        }
      } else {
      }
      %mul3A_48 = arith.constant 2 : i32
      %mul3A_49 = arith.muli %mul3A_48, %scan3A_34 : i32
      %add3A_50 = arith.constant 1 : i32
      %add3A_51 = arith.addi %mul3A_49, %add3A_50 : i32
      %mul3A_52 = arith.constant 32 : i32
      %mul3A_53 = arith.muli %mul3A_52, %add3A_51 : i32
      %add3A_54 = arith.addi %add3A, %mul3A_53 : i32
      %mul3A_55 = arith.constant 384 : i32
      %mul3A_56 = arith.muli %add3A_54, %mul3A_55 : i32
      %multiple_of3A_57 = tpu.assume_multiple %mul3A_56, 128 : i32
      %lt3A_58 = arith.constant 2604 : i32
      %lt3A_59 = arith.cmpi slt, %add3A_54, %lt3A_58 : i32
      %convert_element_type3A_60 = arith.extui %lt3A_59 : i1 to i32
      %cond3A_61 = arith.constant 0 : i32
      %cond3A_62 = arith.cmpi ne, %convert_element_type3A_60, %cond3A_61 : i32
      scf.if %cond3A_62 {
        %dma_wait3A = arith.constant 0 : i32
        %dma_wait3A_63 = tpu.memref_slice %arg3[%multiple_of3A_57, %dma_wait3A] : memref<1000000x32xf32, #tpu.memory_space<hbm>> -> memref<384x32xf32, #tpu.memory_space<hbm>>
        %dma_wait3A_64 = arith.constant 0 : i32
        %dma_wait3A_65 = tpu.memref_slice %arg3[%multiple_of3A_57, %dma_wait3A_64] : memref<1000000x32xf32, #tpu.memory_space<hbm>> -> memref<384x32xf32, #tpu.memory_space<hbm>>
        tpu.wait_dma2 semaphore(%arg11 : memref<!tpu.dma_semaphore, #tpu.memory_space<semaphore_mem>>) src(%dma_wait3A_65 : memref<384x32xf32, #tpu.memory_space<hbm>>) dst(%arg7 : memref<384x32xf32, #tpu.memory_space<vmem>>)
        %scan3A_66 = arith.constant 0 : i32
        %scan3A_67 = arith.constant 384 : i32
        %scan3A_68 = arith.addi %scan3A_66, %scan3A_67 : i32
        %scan3A_69 = arith.constant 1 : i32
        %scan3A_70 = scf.for %scan3A_85 = %scan3A_66 to %scan3A_68 step %scan3A_69 iter_args(%scan3A_86 = %broadcast_in_dim3A_4) -> (vector<16xf32>)  : i32 {
          %get3A_87 = arith.index_cast %scan3A_85 : i32 to index
          %get3A_88 = arith.constant 0 : index
          %get3A_89 = tpu.vector_load %arg7[%get3A_87, %get3A_88] {strides = array<i32>} : memref<384x32xf32, #tpu.memory_space<vmem>>, vector<16xf32>,
          %mul3A_90 = arith.mulf %get3A_89, %get3A_1 : vector<16xf32>
          %get3A_91 = arith.index_cast %scan3A_85 : i32 to index
          %get3A_92 = arith.constant 16 : index
          %get3A_93 = tpu.vector_load %arg7[%get3A_91, %get3A_92] {strides = array<i32>} : memref<384x32xf32, #tpu.memory_space<vmem>>, vector<16xf32>,
          %mul3A_94 = arith.mulf %get3A_93, %get3A_3 : vector<16xf32>
          %add3A_95 = arith.addf %mul3A_90, %mul3A_94 : vector<16xf32>
          %reduce_sum3A = arith.constant true
          %reduce_sum3A_96 = vector.broadcast %reduce_sum3A : i1 to vector<16xi1>
          %reduce_sum3A_97 = tpu.scan <sum>, %add3A_95 masked %reduce_sum3A_96 : vector<16xf32>, vector<16xi1> -> vector<16xf32>
          %reduce_sum3A_98 = vector.extract %reduce_sum3A_97[15] : f32 from vector<16xf32>
          %jit3A = arith.constant 16 : i32
          %eq3A_99 = arith.constant 0 : i32
          %eq3A_100 = arith.cmpi eq, %jit3A, %eq3A_99 : i32
          %jit3A_101 = arith.constant 1 : i32
          %select_n3A = arith.select %eq3A_100, %jit3A_101, %jit3A : i32
          %rem3A = arith.remsi %scan3A_85, %select_n3A : i32
          %ne3A = arith.constant 0 : i32
          %ne3A_102 = arith.cmpi ne, %rem3A, %ne3A : i32
          %lt3A_103 = arith.constant 0 : i32
          %lt3A_104 = arith.cmpi slt, %rem3A, %lt3A_103 : i32
          %lt3A_105 = arith.constant 0 : i32
          %lt3A_106 = arith.cmpi slt, %select_n3A, %lt3A_105 : i32
          %ne3A_107 = arith.xori %lt3A_104, %lt3A_106 : i1
          %and3A = arith.andi %ne3A_107, %ne3A_102 : i1
          %add3A_108 = arith.addi %rem3A, %select_n3A : i32
          %select_n3A_109 = arith.select %and3A, %add3A_108, %rem3A : i32
          %eq3A_110 = vector.broadcast %select_n3A_109 : i32 to vector<16xi32>
          %eq3A_111 = arith.cmpi eq, %iota3A, %eq3A_110 : vector<16xi32>
          %broadcast_in_dim3A_112 = vector.broadcast %reduce_sum3A_98 : f32 to vector<16xf32>
          %select_n3A_113 = arith.select %eq3A_111, %broadcast_in_dim3A_112, %scan3A_86 : vector<16xi1>, vector<16xf32>
          %jit3A_114 = arith.constant 16 : i32
          %eq3A_115 = arith.constant 0 : i32
          %eq3A_116 = arith.cmpi eq, %jit3A_114, %eq3A_115 : i32
          %jit3A_117 = arith.constant 1 : i32
          %select_n3A_118 = arith.select %eq3A_116, %jit3A_117, %jit3A_114 : i32
          %rem3A_119 = arith.remsi %scan3A_85, %select_n3A_118 : i32
          %ne3A_120 = arith.constant 0 : i32
          %ne3A_121 = arith.cmpi ne, %rem3A_119, %ne3A_120 : i32
          %lt3A_122 = arith.constant 0 : i32
          %lt3A_123 = arith.cmpi slt, %rem3A_119, %lt3A_122 : i32
          %lt3A_124 = arith.constant 0 : i32
          %lt3A_125 = arith.cmpi slt, %select_n3A_118, %lt3A_124 : i32
          %ne3A_126 = arith.xori %lt3A_123, %lt3A_125 : i1
          %and3A_127 = arith.andi %ne3A_126, %ne3A_121 : i1
          %add3A_128 = arith.addi %rem3A_119, %select_n3A_118 : i32
          %select_n3A_129 = arith.select %and3A_127, %add3A_128, %rem3A_119 : i32
          %eq3A_130 = arith.constant 15 : i32
          %eq3A_131 = arith.cmpi eq, %select_n3A_129, %eq3A_130 : i32
          %convert_element_type3A_132 = arith.extui %eq3A_131 : i1 to i32
          %cond3A_133 = arith.constant 0 : i32
          %cond3A_134 = arith.cmpi ne, %convert_element_type3A_132, %cond3A_133 : i32
          scf.if %cond3A_134 {
            %jit3A_135 = arith.constant 16 : i32
            %div3A = arith.divsi %scan3A_85, %jit3A_135 : i32
            %sign3A = arith.constant 0 : i32
            %sign3A_136 = arith.cmpi sgt, %scan3A_85, %sign3A : i32
            %sign3A_137 = arith.extui %sign3A_136 : i1 to i32
            %sign3A_138 = arith.constant 0 : i32
            %sign3A_139 = arith.cmpi slt, %scan3A_85, %sign3A_138 : i32
            %sign3A_140 = arith.extui %sign3A_139 : i1 to i32
            %sign3A_141 = arith.subi %sign3A_137, %sign3A_140 : i32
            %sign3A_142 = arith.constant 0 : i32
            %sign3A_143 = arith.cmpi sgt, %jit3A_135, %sign3A_142 : i32
            %sign3A_144 = arith.extui %sign3A_143 : i1 to i32
            %sign3A_145 = arith.constant 0 : i32
            %sign3A_146 = arith.cmpi slt, %jit3A_135, %sign3A_145 : i32
            %sign3A_147 = arith.extui %sign3A_146 : i1 to i32
            %sign3A_148 = arith.subi %sign3A_144, %sign3A_147 : i32
            %ne3A_149 = arith.cmpi ne, %sign3A_141, %sign3A_148 : i32
            %rem3A_150 = arith.remsi %scan3A_85, %jit3A_135 : i32
            %ne3A_151 = arith.constant 0 : i32
            %ne3A_152 = arith.cmpi ne, %rem3A_150, %ne3A_151 : i32
            %and3A_153 = arith.andi %ne3A_149, %ne3A_152 : i1
            %sub3A = arith.constant 1 : i32
            %sub3A_154 = arith.subi %div3A, %sub3A : i32
            %select_n3A_155 = arith.select %and3A_153, %sub3A_154, %div3A : i32
            %mul3A_156 = arith.constant 16 : i32
            %mul3A_157 = arith.muli %select_n3A_155, %mul3A_156 : i32
            %multiple_of3A_158 = tpu.assume_multiple %mul3A_157, 8 : i32
            %swap3A = arith.index_cast %multiple_of3A_158 : i32 to index
            %swap3A_159 = tpu.vector_load %arg9[%swap3A] {strides = array<i32>} : memref<384xf32, #tpu.memory_space<vmem>>, vector<16xf32>,
            tpu.vector_store %arg9[%swap3A], %select_n3A_113 {strides = array<i32>} : memref<384xf32, #tpu.memory_space<vmem>>, vector<16xf32>,
          } else {
          }
          scf.yield %select_n3A_113 : vector<16xf32>
        }
        %scan3A_71 = arith.constant 384 : i32
        "tpu.region"() ({
          %run_scoped3A = tpu.sem_alloc : memref<!tpu.dma_semaphore, #tpu.memory_space<semaphore_mem>>
          %dma_start3A = tpu.memref_slice %arg4[%multiple_of3A_57] : memref<1000064xf32, #tpu.memory_space<hbm>> -> memref<384xf32, #tpu.memory_space<hbm>>
          %dma_start3A_85 = tpu.memref_slice %arg4[%multiple_of3A_57] : memref<1000064xf32, #tpu.memory_space<hbm>> -> memref<384xf32, #tpu.memory_space<hbm>>
          tpu.enqueue_dma source(%arg9 : memref<384xf32, #tpu.memory_space<vmem>>) target(%dma_start3A_85 : memref<384xf32, #tpu.memory_space<hbm>>) target_semaphore(%run_scoped3A : memref<!tpu.dma_semaphore, #tpu.memory_space<semaphore_mem>>)
          %dma_wait3A_86 = tpu.memref_slice %arg4[%multiple_of3A_57] : memref<1000064xf32, #tpu.memory_space<hbm>> -> memref<384xf32, #tpu.memory_space<hbm>>
          %dma_wait3A_87 = tpu.memref_slice %arg4[%multiple_of3A_57] : memref<1000064xf32, #tpu.memory_space<hbm>> -> memref<384xf32, #tpu.memory_space<hbm>>
          tpu.wait_dma2 semaphore(%run_scoped3A : memref<!tpu.dma_semaphore, #tpu.memory_space<semaphore_mem>>) src(%arg9 : memref<384xf32, #tpu.memory_space<vmem>>) dst(%dma_wait3A_87 : memref<384xf32, #tpu.memory_space<hbm>>)
          tpu.yield
        }) : () -> ()
        %add3A_72 = arith.constant 2 : i32
        %add3A_73 = arith.addi %add3A_51, %add3A_72 : i32
        %mul3A_74 = arith.constant 32 : i32
        %mul3A_75 = arith.muli %mul3A_74, %add3A_73 : i32
        %add3A_76 = arith.addi %add3A, %mul3A_75 : i32
        %mul3A_77 = arith.constant 384 : i32
        %mul3A_78 = arith.muli %add3A_76, %mul3A_77 : i32
        %multiple_of3A_79 = tpu.assume_multiple %mul3A_78, 128 : i32
        %lt3A_80 = arith.constant 2604 : i32
        %lt3A_81 = arith.cmpi slt, %add3A_76, %lt3A_80 : i32
        %convert_element_type3A_82 = arith.extui %lt3A_81 : i1 to i32
        %cond3A_83 = arith.constant 0 : i32
        %cond3A_84 = arith.cmpi ne, %convert_element_type3A_82, %cond3A_83 : i32
        scf.if %cond3A_84 {
          %dma_start3A = arith.constant 0 : i32
          %dma_start3A_85 = tpu.memref_slice %arg3[%multiple_of3A_79, %dma_start3A] : memref<1000000x32xf32, #tpu.memory_space<hbm>> -> memref<384x32xf32, #tpu.memory_space<hbm>>
          %dma_start3A_86 = arith.constant 0 : i32
          %dma_start3A_87 = tpu.memref_slice %arg3[%multiple_of3A_79, %dma_start3A_86] : memref<1000000x32xf32, #tpu.memory_space<hbm>> -> memref<384x32xf32, #tpu.memory_space<hbm>>
          tpu.enqueue_dma source(%dma_start3A_87 : memref<384x32xf32, #tpu.memory_space<hbm>>) target(%arg7 : memref<384x32xf32, #tpu.memory_space<vmem>>) target_semaphore(%arg11 : memref<!tpu.dma_semaphore, #tpu.memory_space<semaphore_mem>>)
        } else {
        }
      } else {
      }
    }
    %scan3A_29 = arith.constant 41 : i32
    %eq3A = arith.constant 31 : i32
    %eq3A_30 = arith.cmpi eq, %add3A, %eq3A : i32
    %convert_element_type3A_31 = arith.extui %eq3A_30 : i1 to i32
    %cond3A_32 = arith.constant 0 : i32
    %cond3A_33 = arith.cmpi ne, %convert_element_type3A_31, %cond3A_32 : i32
    scf.if %cond3A_33 {
      "tpu.region"() ({
        %run_scoped3A = tpu.sem_alloc : memref<!tpu.dma_semaphore, #tpu.memory_space<semaphore_mem>>
        %dma_start3A = arith.constant 0 : i32
        %dma_start3A_40 = arith.constant 0 : i32
        %dma_start3A_41 = tpu.memref_slice %arg6[%dma_start3A, %dma_start3A_40] : memref<384x32xf32, #tpu.memory_space<vmem>> -> memref<64x32xf32, #tpu.memory_space<vmem>>
        %dma_start3A_42 = arith.constant 999936 : i32
        %dma_start3A_43 = arith.constant 0 : i32
        %dma_start3A_44 = tpu.memref_slice %arg3[%dma_start3A_42, %dma_start3A_43] : memref<1000000x32xf32, #tpu.memory_space<hbm>> -> memref<64x32xf32, #tpu.memory_space<hbm>>
        %dma_start3A_45 = arith.constant 0 : i32
        %dma_start3A_46 = arith.constant 0 : i32
        %dma_start3A_47 = tpu.memref_slice %arg6[%dma_start3A_45, %dma_start3A_46] : memref<384x32xf32, #tpu.memory_space<vmem>> -> memref<64x32xf32, #tpu.memory_space<vmem>>
        %dma_start3A_48 = arith.constant 999936 : i32
        %dma_start3A_49 = arith.constant 0 : i32
        %dma_start3A_50 = tpu.memref_slice %arg3[%dma_start3A_48, %dma_start3A_49] : memref<1000000x32xf32, #tpu.memory_space<hbm>> -> memref<64x32xf32, #tpu.memory_space<hbm>>
        tpu.enqueue_dma source(%dma_start3A_50 : memref<64x32xf32, #tpu.memory_space<hbm>>) target(%dma_start3A_47 : memref<64x32xf32, #tpu.memory_space<vmem>>) target_semaphore(%run_scoped3A : memref<!tpu.dma_semaphore, #tpu.memory_space<semaphore_mem>>)
        %dma_wait3A = arith.constant 0 : i32
        %dma_wait3A_51 = arith.constant 0 : i32
        %dma_wait3A_52 = tpu.memref_slice %arg6[%dma_wait3A, %dma_wait3A_51] : memref<384x32xf32, #tpu.memory_space<vmem>> -> memref<64x32xf32, #tpu.memory_space<vmem>>
        %dma_wait3A_53 = arith.constant 999936 : i32
        %dma_wait3A_54 = arith.constant 0 : i32
        %dma_wait3A_55 = tpu.memref_slice %arg3[%dma_wait3A_53, %dma_wait3A_54] : memref<1000000x32xf32, #tpu.memory_space<hbm>> -> memref<64x32xf32, #tpu.memory_space<hbm>>
        %dma_wait3A_56 = arith.constant 0 : i32
        %dma_wait3A_57 = arith.constant 0 : i32
        %dma_wait3A_58 = tpu.memref_slice %arg6[%dma_wait3A_56, %dma_wait3A_57] : memref<384x32xf32, #tpu.memory_space<vmem>> -> memref<64x32xf32, #tpu.memory_space<vmem>>
        %dma_wait3A_59 = arith.constant 999936 : i32
        %dma_wait3A_60 = arith.constant 0 : i32
        %dma_wait3A_61 = tpu.memref_slice %arg3[%dma_wait3A_59, %dma_wait3A_60] : memref<1000000x32xf32, #tpu.memory_space<hbm>> -> memref<64x32xf32, #tpu.memory_space<hbm>>
        tpu.wait_dma2 semaphore(%run_scoped3A : memref<!tpu.dma_semaphore, #tpu.memory_space<semaphore_mem>>) src(%dma_wait3A_61 : memref<64x32xf32, #tpu.memory_space<hbm>>) dst(%dma_wait3A_58 : memref<64x32xf32, #tpu.memory_space<vmem>>)
        tpu.yield
      }) : () -> ()
      %scan3A_34 = arith.constant 0 : i32
      %scan3A_35 = arith.constant 64 : i32
      %scan3A_36 = arith.addi %scan3A_34, %scan3A_35 : i32
      %scan3A_37 = arith.constant 1 : i32
      %scan3A_38 = scf.for %scan3A_40 = %scan3A_34 to %scan3A_36 step %scan3A_37 iter_args(%scan3A_41 = %broadcast_in_dim3A_4) -> (vector<16xf32>)  : i32 {
        %get3A_42 = arith.index_cast %scan3A_40 : i32 to index
        %get3A_43 = arith.constant 0 : index
        %get3A_44 = tpu.vector_load %arg6[%get3A_42, %get3A_43] {strides = array<i32>} : memref<384x32xf32, #tpu.memory_space<vmem>>, vector<16xf32>,
        %mul3A_45 = arith.mulf %get3A_44, %get3A_1 : vector<16xf32>
        %get3A_46 = arith.index_cast %scan3A_40 : i32 to index
        %get3A_47 = arith.constant 16 : index
        %get3A_48 = tpu.vector_load %arg6[%get3A_46, %get3A_47] {strides = array<i32>} : memref<384x32xf32, #tpu.memory_space<vmem>>, vector<16xf32>,
        %mul3A_49 = arith.mulf %get3A_48, %get3A_3 : vector<16xf32>
        %add3A_50 = arith.addf %mul3A_45, %mul3A_49 : vector<16xf32>
        %reduce_sum3A = arith.constant true
        %reduce_sum3A_51 = vector.broadcast %reduce_sum3A : i1 to vector<16xi1>
        %reduce_sum3A_52 = tpu.scan <sum>, %add3A_50 masked %reduce_sum3A_51 : vector<16xf32>, vector<16xi1> -> vector<16xf32>
        %reduce_sum3A_53 = vector.extract %reduce_sum3A_52[15] : f32 from vector<16xf32>
        %jit3A = arith.constant 16 : i32
        %eq3A_54 = arith.constant 0 : i32
        %eq3A_55 = arith.cmpi eq, %jit3A, %eq3A_54 : i32
        %jit3A_56 = arith.constant 1 : i32
        %select_n3A = arith.select %eq3A_55, %jit3A_56, %jit3A : i32
        %rem3A = arith.remsi %scan3A_40, %select_n3A : i32
        %ne3A = arith.constant 0 : i32
        %ne3A_57 = arith.cmpi ne, %rem3A, %ne3A : i32
        %lt3A_58 = arith.constant 0 : i32
        %lt3A_59 = arith.cmpi slt, %rem3A, %lt3A_58 : i32
        %lt3A_60 = arith.constant 0 : i32
        %lt3A_61 = arith.cmpi slt, %select_n3A, %lt3A_60 : i32
        %ne3A_62 = arith.xori %lt3A_59, %lt3A_61 : i1
        %and3A = arith.andi %ne3A_62, %ne3A_57 : i1
        %add3A_63 = arith.addi %rem3A, %select_n3A : i32
        %select_n3A_64 = arith.select %and3A, %add3A_63, %rem3A : i32
        %eq3A_65 = vector.broadcast %select_n3A_64 : i32 to vector<16xi32>
        %eq3A_66 = arith.cmpi eq, %iota3A, %eq3A_65 : vector<16xi32>
        %broadcast_in_dim3A_67 = vector.broadcast %reduce_sum3A_53 : f32 to vector<16xf32>
        %select_n3A_68 = arith.select %eq3A_66, %broadcast_in_dim3A_67, %scan3A_41 : vector<16xi1>, vector<16xf32>
        %jit3A_69 = arith.constant 16 : i32
        %eq3A_70 = arith.constant 0 : i32
        %eq3A_71 = arith.cmpi eq, %jit3A_69, %eq3A_70 : i32
        %jit3A_72 = arith.constant 1 : i32
        %select_n3A_73 = arith.select %eq3A_71, %jit3A_72, %jit3A_69 : i32
        %rem3A_74 = arith.remsi %scan3A_40, %select_n3A_73 : i32
        %ne3A_75 = arith.constant 0 : i32
        %ne3A_76 = arith.cmpi ne, %rem3A_74, %ne3A_75 : i32
        %lt3A_77 = arith.constant 0 : i32
        %lt3A_78 = arith.cmpi slt, %rem3A_74, %lt3A_77 : i32
        %lt3A_79 = arith.constant 0 : i32
        %lt3A_80 = arith.cmpi slt, %select_n3A_73, %lt3A_79 : i32
        %ne3A_81 = arith.xori %lt3A_78, %lt3A_80 : i1
        %and3A_82 = arith.andi %ne3A_81, %ne3A_76 : i1
        %add3A_83 = arith.addi %rem3A_74, %select_n3A_73 : i32
        %select_n3A_84 = arith.select %and3A_82, %add3A_83, %rem3A_74 : i32
        %eq3A_85 = arith.constant 15 : i32
        %eq3A_86 = arith.cmpi eq, %select_n3A_84, %eq3A_85 : i32
        %convert_element_type3A_87 = arith.extui %eq3A_86 : i1 to i32
        %cond3A_88 = arith.constant 0 : i32
        %cond3A_89 = arith.cmpi ne, %convert_element_type3A_87, %cond3A_88 : i32
        scf.if %cond3A_89 {
          %jit3A_90 = arith.constant 16 : i32
          %div3A = arith.divsi %scan3A_40, %jit3A_90 : i32
          %sign3A = arith.constant 0 : i32
          %sign3A_91 = arith.cmpi sgt, %scan3A_40, %sign3A : i32
          %sign3A_92 = arith.extui %sign3A_91 : i1 to i32
          %sign3A_93 = arith.constant 0 : i32
          %sign3A_94 = arith.cmpi slt, %scan3A_40, %sign3A_93 : i32
          %sign3A_95 = arith.extui %sign3A_94 : i1 to i32
          %sign3A_96 = arith.subi %sign3A_92, %sign3A_95 : i32
          %sign3A_97 = arith.constant 0 : i32
          %sign3A_98 = arith.cmpi sgt, %jit3A_90, %sign3A_97 : i32
          %sign3A_99 = arith.extui %sign3A_98 : i1 to i32
          %sign3A_100 = arith.constant 0 : i32
          %sign3A_101 = arith.cmpi slt, %jit3A_90, %sign3A_100 : i32
          %sign3A_102 = arith.extui %sign3A_101 : i1 to i32
          %sign3A_103 = arith.subi %sign3A_99, %sign3A_102 : i32
          %ne3A_104 = arith.cmpi ne, %sign3A_96, %sign3A_103 : i32
          %rem3A_105 = arith.remsi %scan3A_40, %jit3A_90 : i32
          %ne3A_106 = arith.constant 0 : i32
          %ne3A_107 = arith.cmpi ne, %rem3A_105, %ne3A_106 : i32
          %and3A_108 = arith.andi %ne3A_104, %ne3A_107 : i1
          %sub3A = arith.constant 1 : i32
          %sub3A_109 = arith.subi %div3A, %sub3A : i32
          %select_n3A_110 = arith.select %and3A_108, %sub3A_109, %div3A : i32
          %mul3A_111 = arith.constant 16 : i32
          %mul3A_112 = arith.muli %select_n3A_110, %mul3A_111 : i32
          %multiple_of3A_113 = tpu.assume_multiple %mul3A_112, 8 : i32
          %swap3A = arith.index_cast %multiple_of3A_113 : i32 to index
          %swap3A_114 = tpu.vector_load %arg8[%swap3A] {strides = array<i32>} : memref<384xf32, #tpu.memory_space<vmem>>, vector<16xf32>,
          tpu.vector_store %arg8[%swap3A], %select_n3A_68 {strides = array<i32>} : memref<384xf32, #tpu.memory_space<vmem>>, vector<16xf32>,
        } else {
        }
        scf.yield %select_n3A_68 : vector<16xf32>
      }
      %scan3A_39 = arith.constant 64 : i32
      "tpu.region"() ({
        %run_scoped3A = tpu.sem_alloc : memref<!tpu.dma_semaphore, #tpu.memory_space<semaphore_mem>>
        %dma_start3A = arith.constant 0 : i32
        %dma_start3A_40 = tpu.memref_slice %arg8[%dma_start3A] : memref<384xf32, #tpu.memory_space<vmem>> -> memref<128xf32, #tpu.memory_space<vmem>>
        %dma_start3A_41 = arith.constant 999936 : i32
        %dma_start3A_42 = tpu.memref_slice %arg4[%dma_start3A_41] : memref<1000064xf32, #tpu.memory_space<hbm>> -> memref<128xf32, #tpu.memory_space<hbm>>
        %dma_start3A_43 = arith.constant 999936 : i32
        %dma_start3A_44 = tpu.memref_slice %arg4[%dma_start3A_43] : memref<1000064xf32, #tpu.memory_space<hbm>> -> memref<128xf32, #tpu.memory_space<hbm>>
        %dma_start3A_45 = arith.constant 0 : i32
        %dma_start3A_46 = tpu.memref_slice %arg8[%dma_start3A_45] : memref<384xf32, #tpu.memory_space<vmem>> -> memref<128xf32, #tpu.memory_space<vmem>>
        tpu.enqueue_dma source(%dma_start3A_46 : memref<128xf32, #tpu.memory_space<vmem>>) target(%dma_start3A_44 : memref<128xf32, #tpu.memory_space<hbm>>) target_semaphore(%run_scoped3A : memref<!tpu.dma_semaphore, #tpu.memory_space<semaphore_mem>>)
        %dma_wait3A = arith.constant 0 : i32
        %dma_wait3A_47 = tpu.memref_slice %arg8[%dma_wait3A] : memref<384xf32, #tpu.memory_space<vmem>> -> memref<128xf32, #tpu.memory_space<vmem>>
        %dma_wait3A_48 = arith.constant 999936 : i32
        %dma_wait3A_49 = tpu.memref_slice %arg4[%dma_wait3A_48] : memref<1000064xf32, #tpu.memory_space<hbm>> -> memref<128xf32, #tpu.memory_space<hbm>>
        %dma_wait3A_50 = arith.constant 999936 : i32
        %dma_wait3A_51 = tpu.memref_slice %arg4[%dma_wait3A_50] : memref<1000064xf32, #tpu.memory_space<hbm>> -> memref<128xf32, #tpu.memory_space<hbm>>
        %dma_wait3A_52 = arith.constant 0 : i32
        %dma_wait3A_53 = tpu.memref_slice %arg8[%dma_wait3A_52] : memref<384xf32, #tpu.memory_space<vmem>> -> memref<128xf32, #tpu.memory_space<vmem>>
        tpu.wait_dma2 semaphore(%run_scoped3A : memref<!tpu.dma_semaphore, #tpu.memory_space<semaphore_mem>>) src(%dma_wait3A_53 : memref<128xf32, #tpu.memory_space<vmem>>) dst(%dma_wait3A_51 : memref<128xf32, #tpu.memory_space<hbm>>)
        tpu.yield
      }) : () -> ()
    } else {
    }
    return
  }
}

#map = affine_map<(d0, d1) -> (0)>
module attributes {stable_mosaic.version = 14 : i64} {
  func.func @_sc_body(%arg0: i32, %arg1: i32, %arg2: memref<819200xi32, #tpu.memory_space<hbm>>, %arg3: memref<16xf32, #tpu.memory_space<hbm>>, %arg4: memref<1000064xf32, #tpu.memory_space<hbm>>, %arg5: memref<4096xf32, #tpu.memory_space<hbm>>, %arg6: memref<25600xi32, #tpu.memory_space<vmem>>, %arg7: memref<16xf32, #tpu.memory_space<vmem>>, %arg8: memref<25600xf32, #tpu.memory_space<vmem>>, %arg9: memref<128xf32, #tpu.memory_space<vmem>>, %arg10: memref<!tpu.dma_semaphore, #tpu.memory_space<semaphore_mem>>) attributes {dimension_semantics = [#tpu.dimension_semantics<core_parallel>, #tpu.dimension_semantics<subcore_parallel>], iteration_bounds = array<i64: 2, 16>, scalar_prefetch = 0 : i64, scratch_operands = 5 : i64, tpu.core_type = #tpu.core_type<sc_vector_subcore>, window_params = [{transform_indices = #map}, {transform_indices = #map}, {transform_indices = #map}, {transform_indices = #map}]} {
    %mul3A = arith.constant 2 : i32
    %mul3A_0 = arith.muli %arg1, %mul3A : i32
    %add3A = arith.addi %mul3A_0, %arg0 : i32
    %mul3A_1 = arith.constant 25600 : i32
    %mul3A_2 = arith.muli %add3A, %mul3A_1 : i32
    "tpu.region"() ({
      %run_scoped3A = tpu.sem_alloc : memref<!tpu.dma_semaphore, #tpu.memory_space<semaphore_mem>>
      %dma_start3A = tpu.memref_slice %arg2[%mul3A_2] : memref<819200xi32, #tpu.memory_space<hbm>> -> memref<25600xi32, #tpu.memory_space<hbm>>
      %dma_start3A_137 = tpu.memref_slice %arg2[%mul3A_2] : memref<819200xi32, #tpu.memory_space<hbm>> -> memref<25600xi32, #tpu.memory_space<hbm>>
      tpu.enqueue_dma source(%dma_start3A_137 : memref<25600xi32, #tpu.memory_space<hbm>>) target(%arg6 : memref<25600xi32, #tpu.memory_space<vmem>>) target_semaphore(%run_scoped3A : memref<!tpu.dma_semaphore, #tpu.memory_space<semaphore_mem>>)
      %dma_wait3A_138 = tpu.memref_slice %arg2[%mul3A_2] : memref<819200xi32, #tpu.memory_space<hbm>> -> memref<25600xi32, #tpu.memory_space<hbm>>
      %dma_wait3A_139 = tpu.memref_slice %arg2[%mul3A_2] : memref<819200xi32, #tpu.memory_space<hbm>> -> memref<25600xi32, #tpu.memory_space<hbm>>
      tpu.wait_dma2 semaphore(%run_scoped3A : memref<!tpu.dma_semaphore, #tpu.memory_space<semaphore_mem>>) src(%dma_wait3A_139 : memref<25600xi32, #tpu.memory_space<hbm>>) dst(%arg6 : memref<25600xi32, #tpu.memory_space<vmem>>)
      tpu.yield
    }) : () -> ()
    "tpu.region"() ({
      %run_scoped3A = tpu.sem_alloc : memref<!tpu.dma_semaphore, #tpu.memory_space<semaphore_mem>>
      tpu.enqueue_dma source(%arg3 : memref<16xf32, #tpu.memory_space<hbm>>) target(%arg7 : memref<16xf32, #tpu.memory_space<vmem>>) target_semaphore(%run_scoped3A : memref<!tpu.dma_semaphore, #tpu.memory_space<semaphore_mem>>)
      tpu.wait_dma2 semaphore(%run_scoped3A : memref<!tpu.dma_semaphore, #tpu.memory_space<semaphore_mem>>) src(%arg3 : memref<16xf32, #tpu.memory_space<hbm>>) dst(%arg7 : memref<16xf32, #tpu.memory_space<vmem>>)
      tpu.yield
    }) : () -> ()
    %get3A = arith.constant 0 : index
    %get3A_3 = tpu.vector_load %arg7[%get3A] {strides = array<i32>} : memref<16xf32, #tpu.memory_space<vmem>>, vector<16xf32>,
    %scan3A = arith.constant 0 : i32
    %scan3A_4 = arith.constant 0 : i32
    %scan3A_5 = arith.constant 200 : i32
    %scan3A_6 = arith.addi %scan3A_4, %scan3A_5 : i32
    %scan3A_7 = arith.constant 1 : i32
    scf.for %scan3A_137 = %scan3A_4 to %scan3A_6 step %scan3A_7  : i32 {
      %mul3A_138 = arith.constant 128 : i32
      %mul3A_139 = arith.muli %scan3A_137, %mul3A_138 : i32
      %multiple_of3A = tpu.assume_multiple %mul3A_139, 8 : i32
      %dma_start3A = tpu.memref_slice %arg8[%multiple_of3A] : memref<25600xf32, #tpu.memory_space<vmem>> -> memref<128xf32, #tpu.memory_space<vmem>>
      %dma_start3A_140 = tpu.memref_slice %arg6[%multiple_of3A] : memref<25600xi32, #tpu.memory_space<vmem>> -> memref<128xi32, #tpu.memory_space<vmem>>
      %dma_start3A_141 = arith.constant 0 : i32
      %dma_start3A_142 = tpu.memref_slice %arg4[%dma_start3A_141] : memref<1000064xf32, #tpu.memory_space<hbm>> -> memref<1000064xf32, #tpu.memory_space<hbm>>
      tpu.enqueue_indirect_dma source(%dma_start3A_142 : memref<1000064xf32, #tpu.memory_space<hbm>>) target(%dma_start3A : memref<128xf32, #tpu.memory_space<vmem>>) offsets(%dma_start3A_140 : memref<128xi32, #tpu.memory_space<vmem>>) semaphore(%arg10 : memref<!tpu.dma_semaphore, #tpu.memory_space<semaphore_mem>>)
    }
    %scan3A_8 = arith.constant 200 : i32
    %dma_wait3A = arith.constant 0 : i32
    %dma_wait3A_9 = tpu.memref_slice %arg4[%dma_wait3A] : memref<1000064xf32, #tpu.memory_space<hbm>> -> memref<1000064xf32, #tpu.memory_space<hbm>>
    tpu.wait_indirect_dma semaphore(%arg10 : memref<!tpu.dma_semaphore, #tpu.memory_space<semaphore_mem>>) src(%dma_wait3A_9 : memref<1000064xf32, #tpu.memory_space<hbm>>) dst(%arg8 : memref<25600xf32, #tpu.memory_space<vmem>>)
    %iota3A = tpu.iota {dimensions = array<i32: 0>} : vector<16xi32>
    %ge3A = arith.constant 8 : i32
    %ge3A_10 = vector.broadcast %ge3A : i32 to vector<16xi32>
    %ge3A_11 = arith.cmpi sge, %iota3A, %ge3A_10 : vector<16xi32>
    %broadcast_in_dim3A = arith.constant 0.000000e+00 : f32
    %broadcast_in_dim3A_12 = vector.broadcast %broadcast_in_dim3A : f32 to vector<16xf32>
    %scan3A_13 = arith.constant 0 : i32
    %scan3A_14 = arith.constant 128 : i32
    %scan3A_15 = arith.addi %scan3A_13, %scan3A_14 : i32
    %scan3A_16 = arith.constant 1 : i32
    %scan3A_17 = scf.for %scan3A_137 = %scan3A_13 to %scan3A_15 step %scan3A_16 iter_args(%scan3A_138 = %broadcast_in_dim3A_12) -> (vector<16xf32>)  : i32 {
      %mul3A_139 = arith.constant 200 : i32
      %mul3A_140 = arith.muli %scan3A_137, %mul3A_139 : i32
      %multiple_of3A = tpu.assume_multiple %mul3A_140, 8 : i32
      %add3A_141 = arith.constant 0 : i32
      %add3A_142 = arith.addi %multiple_of3A, %add3A_141 : i32
      %get3A_143 = arith.index_cast %add3A_142 : i32 to index
      %get3A_144 = tpu.vector_load %arg8[%get3A_143] {strides = array<i32>} : memref<25600xf32, #tpu.memory_space<vmem>>, vector<16xf32>,
      %add3A_145 = arith.addf %broadcast_in_dim3A_12, %get3A_144 : vector<16xf32>
      %add3A_146 = arith.constant 16 : i32
      %add3A_147 = arith.addi %multiple_of3A, %add3A_146 : i32
      %get3A_148 = arith.index_cast %add3A_147 : i32 to index
      %get3A_149 = tpu.vector_load %arg8[%get3A_148] {strides = array<i32>} : memref<25600xf32, #tpu.memory_space<vmem>>, vector<16xf32>,
      %add3A_150 = arith.addf %add3A_145, %get3A_149 : vector<16xf32>
      %add3A_151 = arith.constant 32 : i32
      %add3A_152 = arith.addi %multiple_of3A, %add3A_151 : i32
      %get3A_153 = arith.index_cast %add3A_152 : i32 to index
      %get3A_154 = tpu.vector_load %arg8[%get3A_153] {strides = array<i32>} : memref<25600xf32, #tpu.memory_space<vmem>>, vector<16xf32>,
      %add3A_155 = arith.addf %add3A_150, %get3A_154 : vector<16xf32>
      %add3A_156 = arith.constant 48 : i32
      %add3A_157 = arith.addi %multiple_of3A, %add3A_156 : i32
      %get3A_158 = arith.index_cast %add3A_157 : i32 to index
      %get3A_159 = tpu.vector_load %arg8[%get3A_158] {strides = array<i32>} : memref<25600xf32, #tpu.memory_space<vmem>>, vector<16xf32>,
      %add3A_160 = arith.addf %add3A_155, %get3A_159 : vector<16xf32>
      %add3A_161 = arith.constant 64 : i32
      %add3A_162 = arith.addi %multiple_of3A, %add3A_161 : i32
      %get3A_163 = arith.index_cast %add3A_162 : i32 to index
      %get3A_164 = tpu.vector_load %arg8[%get3A_163] {strides = array<i32>} : memref<25600xf32, #tpu.memory_space<vmem>>, vector<16xf32>,
      %add3A_165 = arith.addf %add3A_160, %get3A_164 : vector<16xf32>
      %add3A_166 = arith.constant 80 : i32
      %add3A_167 = arith.addi %multiple_of3A, %add3A_166 : i32
      %get3A_168 = arith.index_cast %add3A_167 : i32 to index
      %get3A_169 = tpu.vector_load %arg8[%get3A_168] {strides = array<i32>} : memref<25600xf32, #tpu.memory_space<vmem>>, vector<16xf32>,
      %add3A_170 = arith.addf %add3A_165, %get3A_169 : vector<16xf32>
      %add3A_171 = arith.constant 96 : i32
      %add3A_172 = arith.addi %multiple_of3A, %add3A_171 : i32
      %get3A_173 = arith.index_cast %add3A_172 : i32 to index
      %get3A_174 = tpu.vector_load %arg8[%get3A_173] {strides = array<i32>} : memref<25600xf32, #tpu.memory_space<vmem>>, vector<16xf32>,
      %add3A_175 = arith.addf %add3A_170, %get3A_174 : vector<16xf32>
      %add3A_176 = arith.constant 112 : i32
      %add3A_177 = arith.addi %multiple_of3A, %add3A_176 : i32
      %get3A_178 = arith.index_cast %add3A_177 : i32 to index
      %get3A_179 = tpu.vector_load %arg8[%get3A_178] {strides = array<i32>} : memref<25600xf32, #tpu.memory_space<vmem>>, vector<16xf32>,
      %add3A_180 = arith.addf %add3A_175, %get3A_179 : vector<16xf32>
      %add3A_181 = arith.constant 128 : i32
      %add3A_182 = arith.addi %multiple_of3A, %add3A_181 : i32
      %get3A_183 = arith.index_cast %add3A_182 : i32 to index
      %get3A_184 = tpu.vector_load %arg8[%get3A_183] {strides = array<i32>} : memref<25600xf32, #tpu.memory_space<vmem>>, vector<16xf32>,
      %add3A_185 = arith.addf %add3A_180, %get3A_184 : vector<16xf32>
      %add3A_186 = arith.constant 144 : i32
      %add3A_187 = arith.addi %multiple_of3A, %add3A_186 : i32
      %get3A_188 = arith.index_cast %add3A_187 : i32 to index
      %get3A_189 = tpu.vector_load %arg8[%get3A_188] {strides = array<i32>} : memref<25600xf32, #tpu.memory_space<vmem>>, vector<16xf32>,
      %add3A_190 = arith.addf %add3A_185, %get3A_189 : vector<16xf32>
      %add3A_191 = arith.constant 160 : i32
      %add3A_192 = arith.addi %multiple_of3A, %add3A_191 : i32
      %get3A_193 = arith.index_cast %add3A_192 : i32 to index
      %get3A_194 = tpu.vector_load %arg8[%get3A_193] {strides = array<i32>} : memref<25600xf32, #tpu.memory_space<vmem>>, vector<16xf32>,
      %add3A_195 = arith.addf %add3A_190, %get3A_194 : vector<16xf32>
      %add3A_196 = arith.constant 176 : i32
      %add3A_197 = arith.addi %multiple_of3A, %add3A_196 : i32
      %get3A_198 = arith.index_cast %add3A_197 : i32 to index
      %get3A_199 = tpu.vector_load %arg8[%get3A_198] {strides = array<i32>} : memref<25600xf32, #tpu.memory_space<vmem>>, vector<16xf32>,
      %add3A_200 = arith.addf %add3A_195, %get3A_199 : vector<16xf32>
      %add3A_201 = arith.constant 200 : i32
      %add3A_202 = arith.addi %multiple_of3A, %add3A_201 : i32
      %sub3A = arith.constant 16 : i32
      %sub3A_203 = arith.subi %add3A_202, %sub3A : i32
      %get3A_204 = arith.index_cast %sub3A_203 : i32 to index
      %get3A_205 = tpu.vector_load %arg8[%get3A_204] {strides = array<i32>} : memref<25600xf32, #tpu.memory_space<vmem>>, vector<16xf32>,
      %select_n3A = arith.select %ge3A_11, %get3A_205, %broadcast_in_dim3A_12 : vector<16xi1>, vector<16xf32>
      %add3A_206 = arith.addf %add3A_200, %select_n3A : vector<16xf32>
      %reduce_sum3A = arith.constant true
      %reduce_sum3A_207 = vector.broadcast %reduce_sum3A : i1 to vector<16xi1>
      %reduce_sum3A_208 = tpu.scan <sum>, %add3A_206 masked %reduce_sum3A_207 : vector<16xf32>, vector<16xi1> -> vector<16xf32>
      %reduce_sum3A_209 = vector.extract %reduce_sum3A_208[15] : f32 from vector<16xf32>
      %jit3A = arith.constant 16 : i32
      %eq3A = arith.constant 0 : i32
      %eq3A_210 = arith.cmpi eq, %jit3A, %eq3A : i32
      %jit3A_211 = arith.constant 1 : i32
      %select_n3A_212 = arith.select %eq3A_210, %jit3A_211, %jit3A : i32
      %rem3A = arith.remsi %scan3A_137, %select_n3A_212 : i32
      %ne3A = arith.constant 0 : i32
      %ne3A_213 = arith.cmpi ne, %rem3A, %ne3A : i32
      %lt3A = arith.constant 0 : i32
      %lt3A_214 = arith.cmpi slt, %rem3A, %lt3A : i32
      %lt3A_215 = arith.constant 0 : i32
      %lt3A_216 = arith.cmpi slt, %select_n3A_212, %lt3A_215 : i32
      %ne3A_217 = arith.xori %lt3A_214, %lt3A_216 : i1
      %and3A = arith.andi %ne3A_217, %ne3A_213 : i1
      %add3A_218 = arith.addi %rem3A, %select_n3A_212 : i32
      %select_n3A_219 = arith.select %and3A, %add3A_218, %rem3A : i32
      %eq3A_220 = vector.broadcast %select_n3A_219 : i32 to vector<16xi32>
      %eq3A_221 = arith.cmpi eq, %iota3A, %eq3A_220 : vector<16xi32>
      %broadcast_in_dim3A_222 = vector.broadcast %reduce_sum3A_209 : f32 to vector<16xf32>
      %select_n3A_223 = arith.select %eq3A_221, %broadcast_in_dim3A_222, %scan3A_138 : vector<16xi1>, vector<16xf32>
      %jit3A_224 = arith.constant 16 : i32
      %eq3A_225 = arith.constant 0 : i32
      %eq3A_226 = arith.cmpi eq, %jit3A_224, %eq3A_225 : i32
      %jit3A_227 = arith.constant 1 : i32
      %select_n3A_228 = arith.select %eq3A_226, %jit3A_227, %jit3A_224 : i32
      %rem3A_229 = arith.remsi %scan3A_137, %select_n3A_228 : i32
      %ne3A_230 = arith.constant 0 : i32
      %ne3A_231 = arith.cmpi ne, %rem3A_229, %ne3A_230 : i32
      %lt3A_232 = arith.constant 0 : i32
      %lt3A_233 = arith.cmpi slt, %rem3A_229, %lt3A_232 : i32
      %lt3A_234 = arith.constant 0 : i32
      %lt3A_235 = arith.cmpi slt, %select_n3A_228, %lt3A_234 : i32
      %ne3A_236 = arith.xori %lt3A_233, %lt3A_235 : i1
      %and3A_237 = arith.andi %ne3A_236, %ne3A_231 : i1
      %add3A_238 = arith.addi %rem3A_229, %select_n3A_228 : i32
      %select_n3A_239 = arith.select %and3A_237, %add3A_238, %rem3A_229 : i32
      %eq3A_240 = arith.constant 15 : i32
      %eq3A_241 = arith.cmpi eq, %select_n3A_239, %eq3A_240 : i32
      %convert_element_type3A = arith.extui %eq3A_241 : i1 to i32
      %cond3A = arith.constant 0 : i32
      %cond3A_242 = arith.cmpi ne, %convert_element_type3A, %cond3A : i32
      scf.if %cond3A_242 {
        %jit3A_243 = arith.constant 16 : i32
        %div3A_244 = arith.divsi %scan3A_137, %jit3A_243 : i32
        %sign3A = arith.constant 0 : i32
        %sign3A_245 = arith.cmpi sgt, %scan3A_137, %sign3A : i32
        %sign3A_246 = arith.extui %sign3A_245 : i1 to i32
        %sign3A_247 = arith.constant 0 : i32
        %sign3A_248 = arith.cmpi slt, %scan3A_137, %sign3A_247 : i32
        %sign3A_249 = arith.extui %sign3A_248 : i1 to i32
        %sign3A_250 = arith.subi %sign3A_246, %sign3A_249 : i32
        %sign3A_251 = arith.constant 0 : i32
        %sign3A_252 = arith.cmpi sgt, %jit3A_243, %sign3A_251 : i32
        %sign3A_253 = arith.extui %sign3A_252 : i1 to i32
        %sign3A_254 = arith.constant 0 : i32
        %sign3A_255 = arith.cmpi slt, %jit3A_243, %sign3A_254 : i32
        %sign3A_256 = arith.extui %sign3A_255 : i1 to i32
        %sign3A_257 = arith.subi %sign3A_253, %sign3A_256 : i32
        %ne3A_258 = arith.cmpi ne, %sign3A_250, %sign3A_257 : i32
        %rem3A_259 = arith.remsi %scan3A_137, %jit3A_243 : i32
        %ne3A_260 = arith.constant 0 : i32
        %ne3A_261 = arith.cmpi ne, %rem3A_259, %ne3A_260 : i32
        %and3A_262 = arith.andi %ne3A_258, %ne3A_261 : i1
        %sub3A_263 = arith.constant 1 : i32
        %sub3A_264 = arith.subi %div3A_244, %sub3A_263 : i32
        %select_n3A_265 = arith.select %and3A_262, %sub3A_264, %div3A_244 : i32
        %mul3A_266 = arith.constant 16 : i32
        %mul3A_267 = arith.muli %select_n3A_265, %mul3A_266 : i32
        %multiple_of3A_268 = tpu.assume_multiple %mul3A_267, 16 : i32
        %swap3A_269 = arith.index_cast %multiple_of3A_268 : i32 to index
        %swap3A_270 = tpu.vector_load %arg9[%swap3A_269] {strides = array<i32>} : memref<128xf32, #tpu.memory_space<vmem>>, vector<16xf32>,
        tpu.vector_store %arg9[%swap3A_269], %select_n3A_223 {strides = array<i32>} : memref<128xf32, #tpu.memory_space<vmem>>, vector<16xf32>,
      } else {
      }
      scf.yield %select_n3A_223 : vector<16xf32>
    }
    %scan3A_18 = arith.constant 128 : i32
    %get3A_19 = arith.constant 0 : index
    %get3A_20 = tpu.vector_load %arg9[%get3A_19] {strides = array<i32>} : memref<128xf32, #tpu.memory_space<vmem>>, vector<16xf32>,
    %add3A_21 = arith.addf %get3A_20, %get3A_3 : vector<16xf32>
    %neg3A = arith.constant 0.000000e+00 : f32
    %neg3A_22 = vector.broadcast %neg3A : f32 to vector<16xf32>
    %neg3A_23 = arith.subf %neg3A_22, %add3A_21 : vector<16xf32>
    %exp3A = math.exp %neg3A_23 : vector<16xf32>
    %add3A_24 = arith.constant 1.000000e+00 : f32
    %add3A_25 = vector.broadcast %add3A_24 : f32 to vector<16xf32>
    %add3A_26 = arith.addf %add3A_25, %exp3A : vector<16xf32>
    %div3A = arith.constant 1.000000e+00 : f32
    %div3A_27 = vector.broadcast %div3A : f32 to vector<16xf32>
    %div3A_28 = arith.divf %div3A_27, %add3A_26 : vector<16xf32>
    %swap3A = arith.constant 0 : index
    %swap3A_29 = tpu.vector_load %arg9[%swap3A] {strides = array<i32>} : memref<128xf32, #tpu.memory_space<vmem>>, vector<16xf32>,
    tpu.vector_store %arg9[%swap3A], %div3A_28 {strides = array<i32>} : memref<128xf32, #tpu.memory_space<vmem>>, vector<16xf32>,
    %get3A_30 = arith.constant 16 : index
    %get3A_31 = tpu.vector_load %arg9[%get3A_30] {strides = array<i32>} : memref<128xf32, #tpu.memory_space<vmem>>, vector<16xf32>,
    %add3A_32 = arith.addf %get3A_31, %get3A_3 : vector<16xf32>
    %neg3A_33 = arith.constant 0.000000e+00 : f32
    %neg3A_34 = vector.broadcast %neg3A_33 : f32 to vector<16xf32>
    %neg3A_35 = arith.subf %neg3A_34, %add3A_32 : vector<16xf32>
    %exp3A_36 = math.exp %neg3A_35 : vector<16xf32>
    %add3A_37 = arith.constant 1.000000e+00 : f32
    %add3A_38 = vector.broadcast %add3A_37 : f32 to vector<16xf32>
    %add3A_39 = arith.addf %add3A_38, %exp3A_36 : vector<16xf32>
    %div3A_40 = arith.constant 1.000000e+00 : f32
    %div3A_41 = vector.broadcast %div3A_40 : f32 to vector<16xf32>
    %div3A_42 = arith.divf %div3A_41, %add3A_39 : vector<16xf32>
    %swap3A_43 = arith.constant 16 : index
    %swap3A_44 = tpu.vector_load %arg9[%swap3A_43] {strides = array<i32>} : memref<128xf32, #tpu.memory_space<vmem>>, vector<16xf32>,
    tpu.vector_store %arg9[%swap3A_43], %div3A_42 {strides = array<i32>} : memref<128xf32, #tpu.memory_space<vmem>>, vector<16xf32>,
    %get3A_45 = arith.constant 32 : index
    %get3A_46 = tpu.vector_load %arg9[%get3A_45] {strides = array<i32>} : memref<128xf32, #tpu.memory_space<vmem>>, vector<16xf32>,
    %add3A_47 = arith.addf %get3A_46, %get3A_3 : vector<16xf32>
    %neg3A_48 = arith.constant 0.000000e+00 : f32
    %neg3A_49 = vector.broadcast %neg3A_48 : f32 to vector<16xf32>
    %neg3A_50 = arith.subf %neg3A_49, %add3A_47 : vector<16xf32>
    %exp3A_51 = math.exp %neg3A_50 : vector<16xf32>
    %add3A_52 = arith.constant 1.000000e+00 : f32
    %add3A_53 = vector.broadcast %add3A_52 : f32 to vector<16xf32>
    %add3A_54 = arith.addf %add3A_53, %exp3A_51 : vector<16xf32>
    %div3A_55 = arith.constant 1.000000e+00 : f32
    %div3A_56 = vector.broadcast %div3A_55 : f32 to vector<16xf32>
    %div3A_57 = arith.divf %div3A_56, %add3A_54 : vector<16xf32>
    %swap3A_58 = arith.constant 32 : index
    %swap3A_59 = tpu.vector_load %arg9[%swap3A_58] {strides = array<i32>} : memref<128xf32, #tpu.memory_space<vmem>>, vector<16xf32>,
    tpu.vector_store %arg9[%swap3A_58], %div3A_57 {strides = array<i32>} : memref<128xf32, #tpu.memory_space<vmem>>, vector<16xf32>,
    %get3A_60 = arith.constant 48 : index
    %get3A_61 = tpu.vector_load %arg9[%get3A_60] {strides = array<i32>} : memref<128xf32, #tpu.memory_space<vmem>>, vector<16xf32>,
    %add3A_62 = arith.addf %get3A_61, %get3A_3 : vector<16xf32>
    %neg3A_63 = arith.constant 0.000000e+00 : f32
    %neg3A_64 = vector.broadcast %neg3A_63 : f32 to vector<16xf32>
    %neg3A_65 = arith.subf %neg3A_64, %add3A_62 : vector<16xf32>
    %exp3A_66 = math.exp %neg3A_65 : vector<16xf32>
    %add3A_67 = arith.constant 1.000000e+00 : f32
    %add3A_68 = vector.broadcast %add3A_67 : f32 to vector<16xf32>
    %add3A_69 = arith.addf %add3A_68, %exp3A_66 : vector<16xf32>
    %div3A_70 = arith.constant 1.000000e+00 : f32
    %div3A_71 = vector.broadcast %div3A_70 : f32 to vector<16xf32>
    %div3A_72 = arith.divf %div3A_71, %add3A_69 : vector<16xf32>
    %swap3A_73 = arith.constant 48 : index
    %swap3A_74 = tpu.vector_load %arg9[%swap3A_73] {strides = array<i32>} : memref<128xf32, #tpu.memory_space<vmem>>, vector<16xf32>,
    tpu.vector_store %arg9[%swap3A_73], %div3A_72 {strides = array<i32>} : memref<128xf32, #tpu.memory_space<vmem>>, vector<16xf32>,
    %get3A_75 = arith.constant 64 : index
    %get3A_76 = tpu.vector_load %arg9[%get3A_75] {strides = array<i32>} : memref<128xf32, #tpu.memory_space<vmem>>, vector<16xf32>,
    %add3A_77 = arith.addf %get3A_76, %get3A_3 : vector<16xf32>
    %neg3A_78 = arith.constant 0.000000e+00 : f32
    %neg3A_79 = vector.broadcast %neg3A_78 : f32 to vector<16xf32>
    %neg3A_80 = arith.subf %neg3A_79, %add3A_77 : vector<16xf32>
    %exp3A_81 = math.exp %neg3A_80 : vector<16xf32>
    %add3A_82 = arith.constant 1.000000e+00 : f32
    %add3A_83 = vector.broadcast %add3A_82 : f32 to vector<16xf32>
    %add3A_84 = arith.addf %add3A_83, %exp3A_81 : vector<16xf32>
    %div3A_85 = arith.constant 1.000000e+00 : f32
    %div3A_86 = vector.broadcast %div3A_85 : f32 to vector<16xf32>
    %div3A_87 = arith.divf %div3A_86, %add3A_84 : vector<16xf32>
    %swap3A_88 = arith.constant 64 : index
    %swap3A_89 = tpu.vector_load %arg9[%swap3A_88] {strides = array<i32>} : memref<128xf32, #tpu.memory_space<vmem>>, vector<16xf32>,
    tpu.vector_store %arg9[%swap3A_88], %div3A_87 {strides = array<i32>} : memref<128xf32, #tpu.memory_space<vmem>>, vector<16xf32>,
    %get3A_90 = arith.constant 80 : index
    %get3A_91 = tpu.vector_load %arg9[%get3A_90] {strides = array<i32>} : memref<128xf32, #tpu.memory_space<vmem>>, vector<16xf32>,
    %add3A_92 = arith.addf %get3A_91, %get3A_3 : vector<16xf32>
    %neg3A_93 = arith.constant 0.000000e+00 : f32
    %neg3A_94 = vector.broadcast %neg3A_93 : f32 to vector<16xf32>
    %neg3A_95 = arith.subf %neg3A_94, %add3A_92 : vector<16xf32>
    %exp3A_96 = math.exp %neg3A_95 : vector<16xf32>
    %add3A_97 = arith.constant 1.000000e+00 : f32
    %add3A_98 = vector.broadcast %add3A_97 : f32 to vector<16xf32>
    %add3A_99 = arith.addf %add3A_98, %exp3A_96 : vector<16xf32>
    %div3A_100 = arith.constant 1.000000e+00 : f32
    %div3A_101 = vector.broadcast %div3A_100 : f32 to vector<16xf32>
    %div3A_102 = arith.divf %div3A_101, %add3A_99 : vector<16xf32>
    %swap3A_103 = arith.constant 80 : index
    %swap3A_104 = tpu.vector_load %arg9[%swap3A_103] {strides = array<i32>} : memref<128xf32, #tpu.memory_space<vmem>>, vector<16xf32>,
    tpu.vector_store %arg9[%swap3A_103], %div3A_102 {strides = array<i32>} : memref<128xf32, #tpu.memory_space<vmem>>, vector<16xf32>,
    %get3A_105 = arith.constant 96 : index
    %get3A_106 = tpu.vector_load %arg9[%get3A_105] {strides = array<i32>} : memref<128xf32, #tpu.memory_space<vmem>>, vector<16xf32>,
    %add3A_107 = arith.addf %get3A_106, %get3A_3 : vector<16xf32>
    %neg3A_108 = arith.constant 0.000000e+00 : f32
    %neg3A_109 = vector.broadcast %neg3A_108 : f32 to vector<16xf32>
    %neg3A_110 = arith.subf %neg3A_109, %add3A_107 : vector<16xf32>
    %exp3A_111 = math.exp %neg3A_110 : vector<16xf32>
    %add3A_112 = arith.constant 1.000000e+00 : f32
    %add3A_113 = vector.broadcast %add3A_112 : f32 to vector<16xf32>
    %add3A_114 = arith.addf %add3A_113, %exp3A_111 : vector<16xf32>
    %div3A_115 = arith.constant 1.000000e+00 : f32
    %div3A_116 = vector.broadcast %div3A_115 : f32 to vector<16xf32>
    %div3A_117 = arith.divf %div3A_116, %add3A_114 : vector<16xf32>
    %swap3A_118 = arith.constant 96 : index
    %swap3A_119 = tpu.vector_load %arg9[%swap3A_118] {strides = array<i32>} : memref<128xf32, #tpu.memory_space<vmem>>, vector<16xf32>,
    tpu.vector_store %arg9[%swap3A_118], %div3A_117 {strides = array<i32>} : memref<128xf32, #tpu.memory_space<vmem>>, vector<16xf32>,
    %get3A_120 = arith.constant 112 : index
    %get3A_121 = tpu.vector_load %arg9[%get3A_120] {strides = array<i32>} : memref<128xf32, #tpu.memory_space<vmem>>, vector<16xf32>,
    %add3A_122 = arith.addf %get3A_121, %get3A_3 : vector<16xf32>
    %neg3A_123 = arith.constant 0.000000e+00 : f32
    %neg3A_124 = vector.broadcast %neg3A_123 : f32 to vector<16xf32>
    %neg3A_125 = arith.subf %neg3A_124, %add3A_122 : vector<16xf32>
    %exp3A_126 = math.exp %neg3A_125 : vector<16xf32>
    %add3A_127 = arith.constant 1.000000e+00 : f32
    %add3A_128 = vector.broadcast %add3A_127 : f32 to vector<16xf32>
    %add3A_129 = arith.addf %add3A_128, %exp3A_126 : vector<16xf32>
    %div3A_130 = arith.constant 1.000000e+00 : f32
    %div3A_131 = vector.broadcast %div3A_130 : f32 to vector<16xf32>
    %div3A_132 = arith.divf %div3A_131, %add3A_129 : vector<16xf32>
    %swap3A_133 = arith.constant 112 : index
    %swap3A_134 = tpu.vector_load %arg9[%swap3A_133] {strides = array<i32>} : memref<128xf32, #tpu.memory_space<vmem>>, vector<16xf32>,
    tpu.vector_store %arg9[%swap3A_133], %div3A_132 {strides = array<i32>} : memref<128xf32, #tpu.memory_space<vmem>>, vector<16xf32>,
    %mul3A_135 = arith.constant 128 : i32
    %mul3A_136 = arith.muli %add3A, %mul3A_135 : i32
    "tpu.region"() ({
      %run_scoped3A = tpu.sem_alloc : memref<!tpu.dma_semaphore, #tpu.memory_space<semaphore_mem>>
      %dma_start3A = tpu.memref_slice %arg5[%mul3A_136] : memref<4096xf32, #tpu.memory_space<hbm>> -> memref<128xf32, #tpu.memory_space<hbm>>
      %dma_start3A_137 = tpu.memref_slice %arg5[%mul3A_136] : memref<4096xf32, #tpu.memory_space<hbm>> -> memref<128xf32, #tpu.memory_space<hbm>>
      tpu.enqueue_dma source(%arg9 : memref<128xf32, #tpu.memory_space<vmem>>) target(%dma_start3A_137 : memref<128xf32, #tpu.memory_space<hbm>>) target_semaphore(%run_scoped3A : memref<!tpu.dma_semaphore, #tpu.memory_space<semaphore_mem>>)
      %dma_wait3A_138 = tpu.memref_slice %arg5[%mul3A_136] : memref<4096xf32, #tpu.memory_space<hbm>> -> memref<128xf32, #tpu.memory_space<hbm>>
      %dma_wait3A_139 = tpu.memref_slice %arg5[%mul3A_136] : memref<4096xf32, #tpu.memory_space<hbm>> -> memref<128xf32, #tpu.memory_space<hbm>>
      tpu.wait_dma2 semaphore(%run_scoped3A : memref<!tpu.dma_semaphore, #tpu.memory_space<semaphore_mem>>) src(%arg9 : memref<128xf32, #tpu.memory_space<vmem>>) dst(%dma_wait3A_139 : memref<128xf32, #tpu.memory_space<hbm>>)
      tpu.yield
    }) : () -> ()
    return
  }
}

</mosaic_0001>

<sc_bundles>
// kernel: _run.4.cloned.1.call-start
scs
__scs_entry_jumppad:
0x0: {  	(pc) =	sbr.rel $0x88, $3  }
0x1: {  	(tag) =	ssettag $0x0;
	lr =	simm.s32 $0x1  }
0x2: {  	[smem:$0x3F9D] =	sst lr;
	_ =	strace $0xD0000000  }
0x3: {  	_ = 	snop  }
0x4: {  	_ = 	snop  }
0x5: {  	_ = 	snop  }
0x6: {  	_ = 	snop  }
0x7: {  	_ = 	snop  }
__scs_overlays_trampoline_lowered:
0x8: {  	[smem:$0x3FAC] =	sst s0  }
0x9: {  	[smem:$0x3FAD] =	sst s1  }
0xa: {  	[smem:$0x3FAE] =	sst s2  }
0xb: {  	[smem:$0x3FAF] =	sst s3  }
0xc: {  	[smem:$0x3FB0] =	sst s4  }
0xd: {  	[smem:$0x3FB1] =	sst s5  }
0xe: {  	[smem:$0x3FB2] =	sst s6  }
0xf: {  	[smem:$0x3FB3] =	sst s7  }
0x10: {  	[smem:$0x3FB4] =	sst s8  }
0x11: {  	[smem:$0x3FB5] =	sst s9;
	s0 =	simm.s32 @!p0 $0x0  }
0x12: {  	s1 =	sld [smem:$0x3F9B];
	s0 =	simm.s32 @p0 $0x1  }
0x13: {  	[smem:$0x3FB6] =	sst s0;
	s0 =	simm.s32 @!p1 $0x0  }
0x14: {  	s2 =	sld [smem:$0x3F9A];
	s0 =	simm.s32 @p1 $0x1  }
0x15: {  	[smem:$0x3FB7] =	sst s0;
	s0 =	simm.s32 @!p2 $0x0  }
0x16: {  	s3 =	sld [smem:$0x3FDB];
	s0 =	simm.s32 @p2 $0x1  }
0x17: {  	s4 =	simm.s32 $0x1BF5;
	[smem:$0x3FB9] =	sst s0  }
0x18: {  	s0 =	sld [smem:$0x3F9C];
	_ =	swait.ge [sflag:s4], $0x0  }
0x19: {  	s7 =	sld [smem:$0x3F9D]  }
0x1a: {  	s8 =	sadd.s32 $0xFFFFE003, lr  }
0x1b: {  	s9 =	sadd.s32 $0xFFFFFEF7, lr;
	s5 =	simm.s32 $0xFFFFFFFF;
	p2 =	slt.u32 s8, $0xFFFFF086  }
0x1c: {  	p1 =	slt.u32 s9, $0xF7A;
	s5 =	simm.s32 @!p2 $0x0  }
0x1d: {  	s5 =	simm.s32 @p1 $0x1;
	p0 =	seq.s32 s7, s2  }
0x1e: {  	s7 =	smul.u32 @!p0 $0xF7A, s2;
	p2 =	seq.s32 @!p0 s5, $0x0  }
0x1f: {  	s9 =	smul.u32 $0xF7A, s1;
	s8 =	simm.s32 @!p0 $0x1BF5;
	p2 =	por !p2, p0  }
0x20: {  	[sflag:s8] =	ssyncset.s32 @!p0 $0xFFFFF086;
	s6 =	sadd.s32 @!p0 s3, s7;
	s7 =	simm.s32 @!p0 $0x108  }
0x21: {  	s3 =	sadd.s32 s3, s9;
	s6 =	sadd.s32 @!p0 $0x88, s6;
	s7 =	simm.s32 @p2 $0x1082  }
0x22: {  	[simem:s7], [sflag:s8] =	dma.local @!p0 [hbm:s6], $0xF7A  }
0x23: {  	s9 =	sor.u32 $0xD0000000, s2;
	s6 =	simm.s32 $0x108;
	_ =	swait.ge @!p0 [sflag:s8], $0x0  }
0x24: {  	s3 =	sadd.s32 $0x88, s3;
	s6 =	simm.s32 @!p1 $0x1082;
	[sflag:s4] =	ssyncset.s32 $0xFFFFF086  }
0x25: {  	[simem:s6], [sflag:s4] =	dma.local [hbm:s3], $0xF7A  }
0x26: {  	[smem:$0x3F9D] =	sst s1;
	(tag) =	ssettag s2;
	_ =	strace s9  }
0x27: {  	s1 =	sld [smem:$0x3FAD]  }
0x28: {  	s2 =	sld [smem:$0x3FAE]  }
0x29: {  	s4 =	sld [smem:$0x3FB0]  }
0x2a: {  	p0 =	seq.s32 s5, $0x0;
	s5 =	sld [smem:$0x3FB1]  }
0x2b: {  	s6 =	sld [smem:$0x3FB2]  }
0x2c: {  	s7 =	sld [smem:$0x3FB3]  }
0x2d: {  	s3 =	simm.s32 $0x108;
	s8 =	sld [smem:$0x3FB4]  }
0x2e: {  	s3 =	simm.s32 @!p0 $0x1082;
	s9 =	sld [smem:$0x3FB5]  }
0x2f: {  	lr =	sadd.s32 s0, s3;
	s0 =	sld [smem:$0x3FAC]  }
0x30: {  	s3 =	sld [smem:$0x3FAF]  }
0x31: {  	[smem:$0x3FB8] =	sst s10  }
0x32: {  	s10 =	sld [smem:$0x3FB6];
	_ =	sdelay $0x3  }
0x33: {  	p0 =	seq.s32 s10, $0x1;
	s10 =	sld [smem:$0x3FB8];
	_ =	sdelay $0x3  }
0x34: {  	[smem:$0x3FB8] =	sst s10  }
0x35: {  	s10 =	sld [smem:$0x3FB7];
	_ =	sdelay $0x3  }
0x36: {  	p1 =	seq.s32 s10, $0x1;
	s10 =	sld [smem:$0x3FB8];
	_ =	sdelay $0x3  }
0x37: {  	[smem:$0x3FB8] =	sst s10  }
0x38: {  	s10 =	sld [smem:$0x3FB9]  }
0x39: {  	_ = 	snop;
	(pc) =	sbr.ind lr, $3  }
0x3a: {  	_ = 	snop  }
0x3b: {  	_ = 	snop  }
0x3c: {  	p2 =	seq.s32 s10, $0x1;
	s10 =	sld [smem:$0x3FB8]  }
0x3d: {  	_ =	shalt  }
0x3e: {  	_ =	shalt  }
0x3f: {  	_ =	shalt  }
0x40: {  	_ =	shalt  }
0x41: {  	_ =	shalt  }
0x42: {  	_ =	shalt  }
0x43: {  	_ =	shalt  }
0x44: {  	_ =	shalt  }
0x45: {  	_ =	shalt  }
0x46: {  	_ =	shalt  }
0x47: {  	_ =	shalt  }
0x48: {  	_ =	shalt  }
0x49: {  	_ =	shalt  }
0x4a: {  	_ =	shalt  }
0x4b: {  	_ =	shalt  }
0x4c: {  	_ =	shalt  }
0x4d: {  	_ =	shalt  }
0x4e: {  	_ =	shalt  }
0x4f: {  	_ =	shalt  }
0x50: {  	_ =	shalt  }
0x51: {  	_ =	shalt  }
0x52: {  	_ =	shalt  }
0x53: {  	_ =	shalt  }
0x54: {  	_ =	shalt  }
0x55: {  	_ =	shalt  }
0x56: {  	_ =	shalt  }
0x57: {  	_ =	shalt  }
0x58: {  	_ =	shalt  }
0x59: {  	_ =	shalt  }
0x5a: {  	_ =	shalt  }
0x5b: {  	_ =	shalt  }
0x5c: {  	_ =	shalt  }
0x5d: {  	_ =	shalt  }
0x5e: {  	_ =	shalt  }
0x5f: {  	_ =	shalt  }
0x60: {  	_ =	shalt  }
0x61: {  	_ =	shalt  }
0x62: {  	_ =	shalt  }
0x63: {  	_ =	shalt  }
0x64: {  	_ =	shalt  }
0x65: {  	_ =	shalt  }
0x66: {  	_ =	shalt  }
0x67: {  	_ =	shalt  }
0x68: {  	_ =	shalt  }
0x69: {  	_ =	shalt  }
0x6a: {  	_ =	shalt  }
0x6b: {  	_ =	shalt  }
0x6c: {  	_ =	shalt  }
0x6d: {  	_ =	shalt  }
0x6e: {  	_ =	shalt  }
0x6f: {  	_ =	shalt  }
0x70: {  	_ =	shalt  }
0x71: {  	_ =	shalt  }
0x72: {  	_ =	shalt  }
0x73: {  	_ =	shalt  }
0x74: {  	_ =	shalt  }
0x75: {  	_ =	shalt  }
0x76: {  	_ =	shalt  }
0x77: {  	_ =	shalt  }
0x78: {  	_ =	shalt  }
0x79: {  	_ =	shalt  }
0x7a: {  	_ =	shalt  }
0x7b: {  	_ =	shalt  }
0x7c: {  	_ =	shalt  }
0x7d: {  	_ =	shalt  }
0x7e: {  	_ =	shalt  }
0x7f: {  	_ =	shalt  }
0x80: {  	_ =	shalt  }
0x81: {  	_ =	shalt  }
0x82: {  	_ =	shalt  }
0x83: {  	_ =	shalt  }
0x84: {  	_ =	shalt  }
0x85: {  	_ =	shalt  }
0x86: {  	_ =	shalt  }
0x87: {  	_ =	shalt  }
.Lfunc_end0:
.L_simem_size_0:
called_computation_lowered:
.L_overlay_start_0:
0x88: {  	s2 =	sld [smem:$0x3FD9]  }
0x89: {  	s3 =	sld [smem:$0x3FFE];
	_ =	sdelay $0x1  }
0x8a: {  	s1 =	srdreg.scid  }
0x8b: {  	s0 =	sand.u32 $0x1, s1  }
0x8c: {  	s16 =	sshll.u32 s0, $0xA;
	s2 =	sadd.s32 s3, s2  }
0x8d: {  	s2 =	sadd.s32 s2, s16  }
0x8e: {  	[smem:$0x3FC4] =	sst s2  }
0x8f: {  	_ = 	snop  }
0x90: {  	(tm) =	ssettm $0x1  }
0x91: {  	s17 =	sld [smem:$0x3FFB];
	_ =	sdelay $0x3  }
0x92: {  	_ =	strace s17  }
0x93: {  	s2 =	sld [smem:$0x3FFC];
	_ =	sdelay $0x3  }
0x94: {  	_ =	strace s2  }
0x95: {  	s2 =	sld [smem:$0x3FFD];
	_ =	sdelay $0x3  }
0x96: {  	_ =	strace s2  }
0x97: {  	_ =	strace $0x8FFFFFFF  }
0x98: {  	s18 =	sld [smem:$0x3FDB];
	_ =	sdelay $0x1  }
0x99: {  	s19 =	simm.s32 $_scs_section_size  }
0x9a: {  	s4 =	simm.s32 $_size__tile_overlayer_lowered;
	s5 =	simm.s32 $_tile_overlayer_lowered  }
0x9b: {  	s22 =	simm.s32 $0x1BFF;
	s21 =	sshll.u32 s5, $0x1;
	s2 =	sadd.s32 s19, s18  }
0x9c: {  	s6 =	simm.s32 $0x0;
	s20 =	sshll.u32 s4, $0x1;
	s4 =	sadd.s32 s21, s2  }
0x9d: {  	[timem:s6], [sflag:s22] =	dma.local [hbm:s4], s20  }
0x9e: {  	_ =	swait.ge [sflag:s22], s20  }
0x9f: {  	s3 =	ssub.s32 $0x0, s20;
	[sflag:s22] =	ssyncset.done $0x0  }
0xa0: {  	[sflag:s22] =	ssyncadd.s32 s3;
	_ =	sdelay $0x1  }
0xa1: {  	s23 =	simm.s32 $0x1B8B  }
0xa2: {  	_ =	swait.ge [sflag:s23], $0x1  }
0xa3: {  	[sflag:s23] =	ssyncset.done $0x0  }
0xa4: {  	s25 =	simm.s32 $0x1B8E;
	s24 =	sld [smem:$0x3FFE];
	[sflag:s23] =	ssyncadd.s32 $0xFFFFFFFF  }
0xa5: {  	s26 =	simm.s32 $execute0_lowered;
	[smem:$0x3FD2] =	sst s25  }
0xa6: {  	s4 =	sshll.u32 s26, $0x1;
	_ =	strace $0x80000046;
	[dreg:$0x1] =	wrdreg $0xFFFFFFFF  }
0xa7: {  	s28 =	simm.s32 $_size_execute0_lowered;
	s2 =	sadd.s32 s2, s4;
	[dreg:$0x0] =	wrdreg $0x0  }
0xa8: {  	s4 =	sshll.u32 s28, $0x1;
	[dreg:$0x2] =	wrdreg s2  }
0xa9: {  	[dreg:$0x3] =	wrdreg s4  }
0xaa: {  	[dreg:$0x4] =	wrdreg $0xC0  }
0xab: {  	_ =	task [dreg:s6], $0x5FFFF  }
0xac: {  	[dreg:$0x1] =	wrdreg $0xFFFFFFFF  }
0xad: {  	[dreg:$0x0] =	wrdreg $0x60  }
0xae: {  	[dreg:$0x2] =	wrdreg s24  }
0xaf: {  	[dreg:$0x3] =	wrdreg $0x9  }
0xb0: {  	_ =	task.clear_ibuf [dreg:s6], $0x4FFFF;
	_ =	strace $0x90000046  }
0xb1: {  	s29 =	simm.s32 $0x9;
	_ =	strace $0x80000048  }
0xb2: {  	_ =	swait.ge [sflag:s29], $0x1  }
0xb3: {  	[sflag:s29] =	ssyncadd.s32 $0xFFFFFFFF  }
0xb4: {  	_ =	strace $0x90000048  }
0xb5: {  	_ =	sfence  }
0xb6: {  	s30 =	sld [smem:$0x0];
	_ =	sdelay $0x2  }
0xb7: {  	s31 =	sshll.u32 s1, $0xD;
	s1 =	sshrl.u32 s1, $0x2  }
0xb8: {  	s3 =	sand.u32 $0x4000, s31;
	s1 =	sadd.s32 s1, s30  }
0xb9: {  	s0 =	sor.u32 s3, s0;
	s1 =	sshll.u32 s1, $0x11  }
0xba: {  	s0 =	sor.u32 s1, s0  }
0xbb: {  	s0 =	sadd.s32 $0x8F2B, s0  }
0xbc: {  	[sflag:s0] =	ssyncadd.remote.s32 $0x1  }
0xbd: {  	_ =	sfence.sel $0xFFFF  }
0xbe: {  	[dreg:$0x0] =	wrdreg $0xFFFFFFFF;
	(pc) =	sbr.abs _section_cstart, $3  }
0xbf: {  	[dreg:$0x1] =	wrdreg $0xFFFFFFFF  }
0xc0: {  	_ =	task.clear_ibuf [dreg:s6], $0x2FFFF;
	_ =	strace $0x9FFFFFFF  }
0xc1: {  	(tm) =	ssettm $0x7FFFFFFF  }
tec
execute0_lowered:
.L_overlay_start_1:
0x0: {  	(tag) =	ssettag $0x1  }
0x1: {  	s12 =	rddreg [dreg:$0x0]  }
0x2: {  	s0 =	rddreg [dreg:$0x1]  }
0x3: {  	s3 =	srdreg.scid;
	s1 =	stileid.u32  }
0x4: {  	s2 =	simm.s32 $0x0;
	s14 =	simm.s32 $0x3;
	s15 =	simm.s32 $0x80  }
0x5: {  	s16 =	simm.s32 $0xC080;
	s17 =	simm.s32 $0x1;
	s18 =	simm.s32 $0x18080  }
0x6: {  	s19 =	simm.s32 $0x2;
	s6 =	sand.u32 $0x1, s3;
	s30 =	sshll.u32 s1, $0x1  }
0x7: {  	s20 =	simm.s32 $0x18200;
	s21 =	simm.s32 $0x0;
	s3 =	sor.u32 s6, s30  }
0x8: {  	[smem:$0x7FF] =	sst s2;
	s4 =	sadd.s32 $0xF43000, s12;
	s7 =	smul.u32 $0xC000, s3  }
0x9: {  	s5 =	sadd.s32 $0xC00, s12;
	s8 =	ssub.s32 $0x2, s6;
	s9 =	smul.u32 $0x1800, s3  }
.Ltmp0:
0xa: {  	_ =	strace $0x80000047;
	s10 =	sshrl.u32 s8, $0x1;
	(pc) =	sbr.rel .LBB2_1-.Ltmp0, $4  }
0xb: {  	s6 =	sadd.s32 $0xF43200, s12;
	p0 =	sne.s32 s3, $0x1F;
	s13 =	ssub.s32 s8, s10  }
0xc: {  	s10 =	sor.u32 $0x60, s3;
	s11 =	sshrl.u32 s7, $0x3;
	s7 =	sadd.s32 s5, s9  }
0xd: {  	s9 =	sor.u32 $0x40, s3;
	s31 =	sadd.s32 s5, s11;
	s11 =	sadd.s32 $0xF42C00, s12  }
0xe: {  	v0 =	vlaneseq.u32;
	s13 =	smax.u32 s13, $0x1;
	s12 =	sadd.s32 $0xF61A40, s12;
	s8 =	sadd.s32 $0x30000, s31  }
.LBB2_13:
0xf: {  	s21 =	sadd.s32 $0x1, s21  }
0x10: {  	p1 =	sne.s32 s21, s13  }
.Ltmp1:
0x11: {  	_ = 	snop;
	(pc) =	sbr.rel @!p1 .LBB2_14-.Ltmp1, $1  }
0x12: {  	_ =	sdelay $0x3  }
.LBB2_1:
0x13: {  	[tilespmem:s2], [sflag:$0x3] =	stream.linear.gather [hbm4b:s4+s2], $0x80, $0x38;
	[tilespmem:$0x18380] =	vst v63  }
0x14: {  	_ =	swait.ge [sflag:s14], $0x80  }
0x15: {  	[sflag:s14] =	ssyncset.done $0x0  }
.Ltmp2:
0x16: {  	[sflag:s14] =	ssyncadd.s32 $0xFFFFFF80;
	(pc) =	sbr.rel .LBB2_2-.Ltmp2, $4  }
0x17: {  	v1 =	vld [tilespmem:$0x0]  }
0x18: {  	v2 =	vld [tilespmem:$0x10];
	[tilespmem:s15], [sflag:$0x1] =	stream.linear.gather [hbm4b:s7+s2], $0xC000, $0x38  }
0x19: {  	s22 =	simm.s32 $0x0  }
0x1a: {  	[tilespmem:s16], [sflag:$0x2] =	stream.linear.gather [hbm4b:s8+s2], $0xC000, $0x38;
	[tilespmem:$0x18380] =	vst v63  }
.LBB2_8:
0x1b: {  	s22 =	sadd.s32 $0x1, s22  }
0x1c: {  	p1 =	sne.s32 s22, $0x29  }
.Ltmp3:
0x1d: {  	_ = 	snop;
	(pc) =	sbr.rel @!p1 .LBB2_9-.Ltmp3, $1  }
0x1e: {  	_ =	sdelay $0x3  }
.LBB2_2:
0x1f: {  	_ =	swait.ge [sflag:s17], $0xC000  }
0x20: {  	[sflag:s17] =	ssyncset.done $0x0  }
0x21: {  	s23 =	simm.s32 $0x90;
	[sflag:s17] =	ssyncadd.s32 $0xFFFF4000  }
0x22: {  	v3 =	vld [tilespmem:s23+$0xFFFFFFF0]  }
0x23: {  	v4 =	vld [tilespmem:s23+$0x0];
	_ =	sdelay $0x4  }
0x24: {  	v3 =	vmul.f32 v3, v1;
	v4 =	vmul.f32 v4, v2;
	_ =	sdelay $0x1  }
0x25: {  	v3 =	vadd.f32 v4, v3;
	_ =	sdelay $0x1  }
0x26: {  	(xrf2) =	vadd.scan.msk.f32 $0xffff, v3;
	_ =	sdelay $0x8  }
0x27: {  	s25 =	simm.s32 $0x0  }
0x28: {  	s31 =	sand.u32 $0xF, s25;
	v3, _, _ =	vpop (xrf2)  }
0x29: {  	p1 =	sne.s32 s31, $0xF;
	v4 =	vmov s31;
	v3 =	vbroadcast v3, $0xF  }
0x2a: {  	v5 =	vimm.f32 $0.0e+00;
	s24 =	sand.u32 @!p1 $0x7C0, s25;
	vm0 =	veq.s32 v4, v0  }
0x2b: {  	s23 =	sshll.u32 s22, $0x6;
	s28 =	sshrl.u32 @!p1 s24, $0x2;
	v3 =	vsel vm0, v3, v5  }
0x2c: {  	s26 =	simm.s32 $0x1;
	s24 =	sor.u32 s3, s23;
	[tilespmem:s28+$0x18080] =	vst @!p1 v3;
	s28 =	simm.s32 $0x110  }
.LBB2_3:
0x2d: {  	v4 =	vld [tilespmem:s28+$0xFFFFFFF0];
	s29 =	smov.u32 s26  }
0x2e: {  	s26 =	sadd.s32 $0x1, s26;
	v5 =	vld [tilespmem:s28+$0x0]  }
0x2f: {  	p1 =	sne.s32 s26, $0x180;
	_ =	sdelay $0x3  }
0x30: {  	v4 =	vmul.f32 v4, v1;
	v5 =	vmul.f32 v5, v2;
	_ =	sdelay $0x1  }
0x31: {  	v4 =	vadd.f32 v5, v4;
	_ =	sdelay $0x1  }
0x32: {  	(xrf2) =	vadd.scan.msk.f32 $0xffff, v4;
	_ =	sdelay $0x9  }
.Ltmp4:
0x33: {  	s29 =	sand.u32 $0xF, s29;
	v4, _, _ =	vpop (xrf2);
	(pc) =	sbr.rel @p1 .LBB2_3-.Ltmp4, $4  }
0x34: {  	s25 =	sadd.s32 $0x4, s25;
	p2 =	sne.s32 s29, $0xF;
	v5 =	vmov s29;
	v4 =	vbroadcast v4, $0xF  }
0x35: {  	s29 =	sand.u32 @!p2 $0x7C0, s25;
	vm0 =	veq.s32 v5, v0  }
0x36: {  	s29 =	sshrl.u32 @!p2 s29, $0x2;
	v3 =	vsel vm0, v4, v3  }
0x37: {  	s28 =	sadd.s32 $0x80, s28;
	[tilespmem:s29+$0x18080] =	vst @!p2 v3  }
0x38: {  	s25 =	smul.u32 $0x30, s24;
	_ =	sdelay $0x1  }
0x39: {  	s25 =	sadd.s32 s6, s25  }
0x3a: {  	[hbm4b:s25+s2] =	stream.linear.scatter [tilespmem:s18], [sflag:$0x3], $0x180, $0x38;
	[tilespmem:$0x18380] =	vst v63  }
0x3b: {  	s25 =	sadd.s32 s9, s23  }
0x3c: {  	p1 =	sgt.u32 s25, $0xA2B  }
0x3d: {  	_ =	swait.ge [sflag:s14], $0x180;
	s25 =	smul.u32 @!p1 $0x1800, s25  }
0x3e: {  	s24 =	sor.u32 $0x20, s24;
	[sflag:s14] =	ssyncset.done $0x0;
	s26 =	simm.s32 @!p1 $0x0  }
0x3f: {  	s28 =	simm.s32 @!p1 $0x80;
	[sflag:s14] =	ssyncadd.s32 $0xFFFFFE80;
	s25 =	sadd.s32 @!p1 s5, s25  }
0x40: {  	[tilespmem:s28], [sflag:$0x1] =	stream.linear.gather @!p1 [hbm4b:s25+s26], $0xC000, $0x38;
	[tilespmem:$0x18380] =	vst v63  }
0x41: {  	p1 =	sgt.u32 s24, $0xA2B  }
.Ltmp5:
0x42: {  	_ = 	snop;
	(pc) =	sbr.rel @p1 .LBB2_8-.Ltmp5, $1  }
0x43: {  	_ =	sdelay $0x3  }
0x44: {  	_ =	swait.ge [sflag:s19], $0xC000  }
0x45: {  	[sflag:s19] =	ssyncset.done $0x0  }
0x46: {  	s25 =	simm.s32 $0xC090;
	[sflag:s19] =	ssyncadd.s32 $0xFFFF4000  }
0x47: {  	v3 =	vld [tilespmem:s25+$0xFFFFFFF0]  }
0x48: {  	v4 =	vld [tilespmem:s25+$0x0];
	_ =	sdelay $0x4  }
0x49: {  	v3 =	vmul.f32 v3, v1;
	v4 =	vmul.f32 v4, v2;
	_ =	sdelay $0x1  }
0x4a: {  	v3 =	vadd.f32 v4, v3;
	_ =	sdelay $0x1  }
0x4b: {  	(xrf2) =	vadd.scan.msk.f32 $0xffff, v3;
	_ =	sdelay $0x8  }
0x4c: {  	s25 =	simm.s32 $0x0  }
0x4d: {  	s26 =	sand.u32 $0xF, s25;
	v3, _, _ =	vpop (xrf2)  }
0x4e: {  	p1 =	sne.s32 s26, $0xF;
	v4 =	vmov s26;
	v3 =	vbroadcast v3, $0xF  }
0x4f: {  	v5 =	vimm.f32 $0.0e+00;
	s26 =	sand.u32 @!p1 $0x7C0, s25;
	vm0 =	veq.s32 v4, v0  }
0x50: {  	s28 =	sshrl.u32 @!p1 s26, $0x2;
	v3 =	vsel vm0, v3, v5  }
0x51: {  	s26 =	simm.s32 $0x1;
	[tilespmem:s28+$0x18200] =	vst @!p1 v3;
	s28 =	simm.s32 $0xC110  }
.LBB2_6:
0x52: {  	v4 =	vld [tilespmem:s28+$0xFFFFFFF0];
	s29 =	smov.u32 s26  }
0x53: {  	s26 =	sadd.s32 $0x1, s26;
	v5 =	vld [tilespmem:s28+$0x0]  }
0x54: {  	p1 =	sne.s32 s26, $0x180;
	_ =	sdelay $0x3  }
0x55: {  	v4 =	vmul.f32 v4, v1;
	v5 =	vmul.f32 v5, v2;
	_ =	sdelay $0x1  }
0x56: {  	v4 =	vadd.f32 v5, v4;
	_ =	sdelay $0x1  }
0x57: {  	(xrf2) =	vadd.scan.msk.f32 $0xffff, v4;
	_ =	sdelay $0x9  }
.Ltmp6:
0x58: {  	s29 =	sand.u32 $0xF, s29;
	v4, _, _ =	vpop (xrf2);
	(pc) =	sbr.rel @p1 .LBB2_6-.Ltmp6, $4  }
0x59: {  	s25 =	sadd.s32 $0x4, s25;
	p2 =	sne.s32 s29, $0xF;
	v5 =	vmov s29;
	v4 =	vbroadcast v4, $0xF  }
0x5a: {  	s29 =	sand.u32 @!p2 $0x7C0, s25;
	vm0 =	veq.s32 v5, v0  }
0x5b: {  	s29 =	sshrl.u32 @!p2 s29, $0x2;
	v3 =	vsel vm0, v4, v3  }
0x5c: {  	s28 =	sadd.s32 $0x80, s28;
	[tilespmem:s29+$0x18200] =	vst @!p2 v3  }
0x5d: {  	s24 =	smul.u32 $0x30, s24;
	_ =	sdelay $0x1  }
0x5e: {  	s23 =	sadd.s32 s10, s23;
	s24 =	sadd.s32 s6, s24  }
0x5f: {  	[hbm4b:s24+s2] =	stream.linear.scatter [tilespmem:s20], [sflag:$0x3], $0x180, $0x38;
	[tilespmem:$0x18380] =	vst v63  }
.Ltmp7:
0x60: {  	p1 =	sgt.u32 s23, $0xA2B;
	(pc) =	sbr.rel .LBB2_8-.Ltmp7, $4  }
0x61: {  	s23 =	smul.u32 @!p1 $0x1800, s23;
	_ =	swait.ge [sflag:s14], $0x180  }
0x62: {  	s25 =	simm.s32 @!p1 $0xC080;
	[sflag:s14] =	ssyncset.done $0x0  }
0x63: {  	s24 =	simm.s32 @!p1 $0x0;
	s23 =	sadd.s32 @!p1 s5, s23;
	[sflag:s14] =	ssyncadd.s32 $0xFFFFFE80  }
0x64: {  	[tilespmem:s25], [sflag:$0x2] =	stream.linear.gather @!p1 [hbm4b:s23+s24], $0xC000, $0x38;
	[tilespmem:$0x18380] =	vst v63  }
.LBB2_9:
.Ltmp8:
0x65: {  	(pc) =	sbr.rel @p0 .LBB2_13-.Ltmp8, $1  }
0x66: {  	_ =	sdelay $0x3  }
0x67: {  	s22 =	simm.s32 $0x0  }
0x68: {  	[tilespmem:s15], [sflag:$0x3] =	stream.linear.gather [hbm4b:s11+s22], $0x2000, $0x38;
	[tilespmem:$0x18380] =	vst v63  }
0x69: {  	_ =	swait.ge [sflag:s14], $0x2000  }
0x6a: {  	[sflag:s14] =	ssyncset.done $0x0  }
0x6b: {  	s23 =	simm.s32 $0x90;
	[sflag:s14] =	ssyncadd.s32 $0xFFFFE000  }
0x6c: {  	v3 =	vld [tilespmem:s23+$0xFFFFFFF0]  }
0x6d: {  	v4 =	vld [tilespmem:s23+$0x0];
	_ =	sdelay $0x4  }
0x6e: {  	v3 =	vmul.f32 v3, v1;
	v4 =	vmul.f32 v4, v2;
	_ =	sdelay $0x1  }
0x6f: {  	v3 =	vadd.f32 v4, v3;
	_ =	sdelay $0x1  }
0x70: {  	(xrf2) =	vadd.scan.msk.f32 $0xffff, v3;
	_ =	sdelay $0x9  }
0x71: {  	s31 =	sand.u32 $0xF, s22;
	v3, _, _ =	vpop (xrf2)  }
0x72: {  	p1 =	sne.s32 s31, $0xF;
	v4 =	vmov s31;
	v3 =	vbroadcast v3, $0xF  }
0x73: {  	v5 =	vimm.f32 $0.0e+00;
	s23 =	sand.u32 @!p1 $0xC0, s22;
	vm0 =	veq.s32 v4, v0  }
0x74: {  	s24 =	sshrl.u32 @!p1 s23, $0x2;
	v3 =	vsel vm0, v3, v5  }
0x75: {  	s23 =	simm.s32 $0x1;
	[tilespmem:s24+$0x18080] =	vst @!p1 v3;
	s24 =	simm.s32 $0x110  }
.LBB2_11:
0x76: {  	v4 =	vld [tilespmem:s24+$0xFFFFFFF0];
	s25 =	smov.u32 s23  }
0x77: {  	s23 =	sadd.s32 $0x1, s23;
	v5 =	vld [tilespmem:s24+$0x0]  }
0x78: {  	p1 =	sne.s32 s23, $0x40;
	_ =	sdelay $0x3  }
0x79: {  	v4 =	vmul.f32 v4, v1;
	v5 =	vmul.f32 v5, v2;
	_ =	sdelay $0x1  }
0x7a: {  	v4 =	vadd.f32 v5, v4;
	_ =	sdelay $0x1  }
0x7b: {  	(xrf2) =	vadd.scan.msk.f32 $0xffff, v4;
	_ =	sdelay $0x9  }
.Ltmp9:
0x7c: {  	s25 =	sand.u32 $0xF, s25;
	v4, _, _ =	vpop (xrf2);
	(pc) =	sbr.rel @p1 .LBB2_11-.Ltmp9, $4  }
0x7d: {  	s22 =	sadd.s32 $0x4, s22;
	p2 =	sne.s32 s25, $0xF;
	v5 =	vmov s25;
	v4 =	vbroadcast v4, $0xF  }
0x7e: {  	s25 =	sand.u32 @!p2 $0xC0, s22;
	vm0 =	veq.s32 v5, v0  }
0x7f: {  	s25 =	sshrl.u32 @!p2 s25, $0x2;
	v3 =	vsel vm0, v4, v3  }
0x80: {  	s24 =	sadd.s32 $0x80, s24;
	[tilespmem:s25+$0x18080] =	vst @!p2 v3  }
.Ltmp10:
0x81: {  	(pc) =	sbr.rel .LBB2_13-.Ltmp10, $4  }
0x82: {  	[hbm4b:s12+s2] =	stream.linear.scatter [tilespmem:s18], [sflag:$0x3], $0x80, $0x38;
	[tilespmem:$0x18380] =	vst v63  }
0x83: {  	_ =	swait.ge [sflag:s14], $0x80  }
0x84: {  	[sflag:s14] =	ssyncset.done $0x0  }
0x85: {  	[sflag:s14] =	ssyncadd.s32 $0xFFFFFF80  }
.LBB2_14:
0x86: {  	_ =	sfence.sel $0x180000  }
0x87: {  	[bflag:$0x0] =	sbarrier.arrive $0xFFFF  }
0x88: {  	p0 =	sne.s32 s1, $0x0;
	_ =	strace $0x90000047  }
0x89: {  	s0 =	sadd.s32 @!p0 $0x100000, s0;
	[bflag:$0x2] =	sbarrier.arrive $0xFFFF  }
0x8a: {  	[sflag:s0] =	ssyncadd.tile.s32 @!p0 $0x1;
	_ =	shalt  }
.Lfunc_end2:
_tile_overlayer_lowered:
.L_overlay_start_2:
0x8b: {  	(tag) =	ssettag $0x2  }
0x8c: {  	s0 =	rddreg [dreg:$0x0];
	s2 =	stileid.u32  }
0x8d: {  	s1 =	rddreg [dreg:$0x1];
	p0 =	sne.s32 s2, $0x0  }
0x8e: {  	s3 =	rddreg [dreg:$0x2];
	[bflag:$0x3] =	sbarrier.arrive $0xFFFF;
	s2 =	simm.s32 @!p0 $0x1C03  }
0x8f: {  	[timem:s3], [sflag:s2] =	dma.local @!p0 [hbm:s0], s1  }
0x90: {  	s0 =	simm.s32 @!p0 $0x3  }
0x91: {  	_ =	swait.ge @!p0 [sflag:s0], s1  }
0x92: {  	s1 =	ssub.s32 @!p0 $0x0, s1;
	[sflag:s0] =	ssyncset.done @!p0 $0x0  }
0x93: {  	[sflag:s0] =	ssyncadd.s32 @!p0 s1  }
0x94: {  	[bflag:$0x3] =	sbarrier.arrive $0xFFFF  }
0x95: {  	_ =	shalt  }

// kernel: _run.7.cloned.1.call-start
scs
__scs_entry_jumppad:
0x0: {  	(pc) =	sbr.rel $0x88, $3  }
0x1: {  	(tag) =	ssettag $0x0;
	lr =	simm.s32 $0x1  }
0x2: {  	[smem:$0x3F9D] =	sst lr;
	_ =	strace $0xD0000000  }
0x3: {  	_ = 	snop  }
0x4: {  	_ = 	snop  }
0x5: {  	_ = 	snop  }
0x6: {  	_ = 	snop  }
0x7: {  	_ = 	snop  }
__scs_overlays_trampoline_lowered:
0x8: {  	[smem:$0x3FAC] =	sst s0  }
0x9: {  	[smem:$0x3FAD] =	sst s1  }
0xa: {  	[smem:$0x3FAE] =	sst s2  }
0xb: {  	[smem:$0x3FAF] =	sst s3  }
0xc: {  	[smem:$0x3FB0] =	sst s4  }
0xd: {  	[smem:$0x3FB1] =	sst s5  }
0xe: {  	[smem:$0x3FB2] =	sst s6  }
0xf: {  	[smem:$0x3FB3] =	sst s7  }
0x10: {  	[smem:$0x3FB4] =	sst s8  }
0x11: {  	[smem:$0x3FB5] =	sst s9;
	s0 =	simm.s32 @!p0 $0x0  }
0x12: {  	s1 =	sld [smem:$0x3F9B];
	s0 =	simm.s32 @p0 $0x1  }
0x13: {  	[smem:$0x3FB6] =	sst s0;
	s0 =	simm.s32 @!p1 $0x0  }
0x14: {  	s2 =	sld [smem:$0x3F9A];
	s0 =	simm.s32 @p1 $0x1  }
0x15: {  	[smem:$0x3FB7] =	sst s0;
	s0 =	simm.s32 @!p2 $0x0  }
0x16: {  	s3 =	sld [smem:$0x3FDB];
	s0 =	simm.s32 @p2 $0x1  }
0x17: {  	s4 =	simm.s32 $0x1BF5;
	[smem:$0x3FB9] =	sst s0  }
0x18: {  	s0 =	sld [smem:$0x3F9C];
	_ =	swait.ge [sflag:s4], $0x0  }
0x19: {  	s7 =	sld [smem:$0x3F9D]  }
0x1a: {  	s8 =	sadd.s32 $0xFFFFE003, lr  }
0x1b: {  	s9 =	sadd.s32 $0xFFFFFEF7, lr;
	s5 =	simm.s32 $0xFFFFFFFF;
	p2 =	slt.u32 s8, $0xFFFFF086  }
0x1c: {  	p1 =	slt.u32 s9, $0xF7A;
	s5 =	simm.s32 @!p2 $0x0  }
0x1d: {  	s5 =	simm.s32 @p1 $0x1;
	p0 =	seq.s32 s7, s2  }
0x1e: {  	s7 =	smul.u32 @!p0 $0xF7A, s2;
	p2 =	seq.s32 @!p0 s5, $0x0  }
0x1f: {  	s9 =	smul.u32 $0xF7A, s1;
	s8 =	simm.s32 @!p0 $0x1BF5;
	p2 =	por !p2, p0  }
0x20: {  	[sflag:s8] =	ssyncset.s32 @!p0 $0xFFFFF086;
	s6 =	sadd.s32 @!p0 s3, s7;
	s7 =	simm.s32 @!p0 $0x108  }
0x21: {  	s3 =	sadd.s32 s3, s9;
	s6 =	sadd.s32 @!p0 $0x88, s6;
	s7 =	simm.s32 @p2 $0x1082  }
0x22: {  	[simem:s7], [sflag:s8] =	dma.local @!p0 [hbm:s6], $0xF7A  }
0x23: {  	s9 =	sor.u32 $0xD0000000, s2;
	s6 =	simm.s32 $0x108;
	_ =	swait.ge @!p0 [sflag:s8], $0x0  }
0x24: {  	s3 =	sadd.s32 $0x88, s3;
	s6 =	simm.s32 @!p1 $0x1082;
	[sflag:s4] =	ssyncset.s32 $0xFFFFF086  }
0x25: {  	[simem:s6], [sflag:s4] =	dma.local [hbm:s3], $0xF7A  }
0x26: {  	[smem:$0x3F9D] =	sst s1;
	(tag) =	ssettag s2;
	_ =	strace s9  }
0x27: {  	s1 =	sld [smem:$0x3FAD]  }
0x28: {  	s2 =	sld [smem:$0x3FAE]  }
0x29: {  	s4 =	sld [smem:$0x3FB0]  }
0x2a: {  	p0 =	seq.s32 s5, $0x0;
	s5 =	sld [smem:$0x3FB1]  }
0x2b: {  	s6 =	sld [smem:$0x3FB2]  }
0x2c: {  	s7 =	sld [smem:$0x3FB3]  }
0x2d: {  	s3 =	simm.s32 $0x108;
	s8 =	sld [smem:$0x3FB4]  }
0x2e: {  	s3 =	simm.s32 @!p0 $0x1082;
	s9 =	sld [smem:$0x3FB5]  }
0x2f: {  	lr =	sadd.s32 s0, s3;
	s0 =	sld [smem:$0x3FAC]  }
0x30: {  	s3 =	sld [smem:$0x3FAF]  }
0x31: {  	[smem:$0x3FB8] =	sst s10  }
0x32: {  	s10 =	sld [smem:$0x3FB6];
	_ =	sdelay $0x3  }
0x33: {  	p0 =	seq.s32 s10, $0x1;
	s10 =	sld [smem:$0x3FB8];
	_ =	sdelay $0x3  }
0x34: {  	[smem:$0x3FB8] =	sst s10  }
0x35: {  	s10 =	sld [smem:$0x3FB7];
	_ =	sdelay $0x3  }
0x36: {  	p1 =	seq.s32 s10, $0x1;
	s10 =	sld [smem:$0x3FB8];
	_ =	sdelay $0x3  }
0x37: {  	[smem:$0x3FB8] =	sst s10  }
0x38: {  	s10 =	sld [smem:$0x3FB9]  }
0x39: {  	_ = 	snop;
	(pc) =	sbr.ind lr, $3  }
0x3a: {  	_ = 	snop  }
0x3b: {  	_ = 	snop  }
0x3c: {  	p2 =	seq.s32 s10, $0x1;
	s10 =	sld [smem:$0x3FB8]  }
0x3d: {  	_ =	shalt  }
0x3e: {  	_ =	shalt  }
0x3f: {  	_ =	shalt  }
0x40: {  	_ =	shalt  }
0x41: {  	_ =	shalt  }
0x42: {  	_ =	shalt  }
0x43: {  	_ =	shalt  }
0x44: {  	_ =	shalt  }
0x45: {  	_ =	shalt  }
0x46: {  	_ =	shalt  }
0x47: {  	_ =	shalt  }
0x48: {  	_ =	shalt  }
0x49: {  	_ =	shalt  }
0x4a: {  	_ =	shalt  }
0x4b: {  	_ =	shalt  }
0x4c: {  	_ =	shalt  }
0x4d: {  	_ =	shalt  }
0x4e: {  	_ =	shalt  }
0x4f: {  	_ =	shalt  }
0x50: {  	_ =	shalt  }
0x51: {  	_ =	shalt  }
0x52: {  	_ =	shalt  }
0x53: {  	_ =	shalt  }
0x54: {  	_ =	shalt  }
0x55: {  	_ =	shalt  }
0x56: {  	_ =	shalt  }
0x57: {  	_ =	shalt  }
0x58: {  	_ =	shalt  }
0x59: {  	_ =	shalt  }
0x5a: {  	_ =	shalt  }
0x5b: {  	_ =	shalt  }
0x5c: {  	_ =	shalt  }
0x5d: {  	_ =	shalt  }
0x5e: {  	_ =	shalt  }
0x5f: {  	_ =	shalt  }
0x60: {  	_ =	shalt  }
0x61: {  	_ =	shalt  }
0x62: {  	_ =	shalt  }
0x63: {  	_ =	shalt  }
0x64: {  	_ =	shalt  }
0x65: {  	_ =	shalt  }
0x66: {  	_ =	shalt  }
0x67: {  	_ =	shalt  }
0x68: {  	_ =	shalt  }
0x69: {  	_ =	shalt  }
0x6a: {  	_ =	shalt  }
0x6b: {  	_ =	shalt  }
0x6c: {  	_ =	shalt  }
0x6d: {  	_ =	shalt  }
0x6e: {  	_ =	shalt  }
0x6f: {  	_ =	shalt  }
0x70: {  	_ =	shalt  }
0x71: {  	_ =	shalt  }
0x72: {  	_ =	shalt  }
0x73: {  	_ =	shalt  }
0x74: {  	_ =	shalt  }
0x75: {  	_ =	shalt  }
0x76: {  	_ =	shalt  }
0x77: {  	_ =	shalt  }
0x78: {  	_ =	shalt  }
0x79: {  	_ =	shalt  }
0x7a: {  	_ =	shalt  }
0x7b: {  	_ =	shalt  }
0x7c: {  	_ =	shalt  }
0x7d: {  	_ =	shalt  }
0x7e: {  	_ =	shalt  }
0x7f: {  	_ =	shalt  }
0x80: {  	_ =	shalt  }
0x81: {  	_ =	shalt  }
0x82: {  	_ =	shalt  }
0x83: {  	_ =	shalt  }
0x84: {  	_ =	shalt  }
0x85: {  	_ =	shalt  }
0x86: {  	_ =	shalt  }
0x87: {  	_ =	shalt  }
.Lfunc_end0:
.L_simem_size_0:
called_computation.1_lowered:
.L_overlay_start_0:
0x88: {  	s2 =	sld [smem:$0x3FD9]  }
0x89: {  	s3 =	sld [smem:$0x3FFE];
	_ =	sdelay $0x1  }
0x8a: {  	s1 =	srdreg.scid  }
0x8b: {  	s0 =	sand.u32 $0x1, s1  }
0x8c: {  	s17 =	sshll.u32 s0, $0xA;
	s2 =	sadd.s32 s3, s2  }
0x8d: {  	s2 =	sadd.s32 s2, s17  }
0x8e: {  	[smem:$0x3FC4] =	sst s2  }
0x8f: {  	_ = 	snop  }
0x90: {  	s2 =	sld [smem:$0x3FD0];
	(tm) =	ssettm $0x1  }
0x91: {  	s18 =	sld [smem:$0x3FFB];
	_ =	sdelay $0x3  }
0x92: {  	_ =	strace s18  }
0x93: {  	s3 =	sld [smem:$0x3FFC];
	_ =	sdelay $0x3  }
0x94: {  	_ =	strace s3  }
0x95: {  	s3 =	sld [smem:$0x3FFD];
	_ =	sdelay $0x3  }
0x96: {  	_ =	strace s3  }
0x97: {  	_ =	strace $0x8FFFFFFF  }
0x98: {  	s19 =	sld [smem:$0x3FDB];
	_ =	sdelay $0x1  }
0x99: {  	s4 =	simm.s32 $_scs_section_size  }
0x9a: {  	s5 =	simm.s32 $_size__tile_overlayer_lowered;
	s6 =	simm.s32 $_tile_overlayer_lowered  }
0x9b: {  	s22 =	simm.s32 $0x1BFF;
	s21 =	sshll.u32 s6, $0x1;
	s3 =	sadd.s32 s4, s19  }
0x9c: {  	s7 =	simm.s32 $0x0;
	s20 =	sshll.u32 s5, $0x1;
	s5 =	sadd.s32 s21, s3  }
0x9d: {  	[timem:s7], [sflag:s22] =	dma.local [hbm:s5], s20  }
0x9e: {  	_ =	swait.ge [sflag:s22], s20  }
0x9f: {  	s4 =	ssub.s32 $0x0, s20;
	[sflag:s22] =	ssyncset.done $0x0  }
0xa0: {  	[sflag:s22] =	ssyncadd.s32 s4;
	_ =	sdelay $0x1  }
0xa1: {  	s23 =	simm.s32 $0x1B8B  }
0xa2: {  	_ =	swait.ge [sflag:s23], $0x1  }
0xa3: {  	[sflag:s23] =	ssyncset.done $0x0  }
0xa4: {  	s25 =	simm.s32 $0x1B8E;
	s24 =	sld [smem:$0x3FFE];
	[sflag:s23] =	ssyncadd.s32 $0xFFFFFFFF  }
0xa5: {  	s26 =	simm.s32 $execute0_lowered;
	[smem:$0x3FD2] =	sst s25  }
0xa6: {  	s5 =	sshll.u32 s26, $0x1;
	_ =	strace $0x80000049;
	[dreg:$0x1] =	wrdreg $0xFFFFFFFF  }
0xa7: {  	s28 =	simm.s32 $_size_execute0_lowered;
	s3 =	sadd.s32 s3, s5;
	[dreg:$0x0] =	wrdreg $0x0  }
0xa8: {  	s5 =	sshll.u32 s28, $0x1;
	[dreg:$0x2] =	wrdreg s3  }
0xa9: {  	[dreg:$0x3] =	wrdreg s5  }
0xaa: {  	[dreg:$0x4] =	wrdreg $0xC0  }
0xab: {  	_ =	task [dreg:s7], $0x5FFFF  }
0xac: {  	[dreg:$0x1] =	wrdreg $0xFFFFFFFF  }
0xad: {  	[dreg:$0x0] =	wrdreg $0x60  }
0xae: {  	[dreg:$0x2] =	wrdreg s24  }
0xaf: {  	[dreg:$0x3] =	wrdreg s2  }
0xb0: {  	[dreg:$0x4] =	wrdreg $0x9  }
0xb1: {  	_ =	task.clear_ibuf [dreg:s7], $0x5FFFF;
	_ =	strace $0x90000049  }
0xb2: {  	s29 =	simm.s32 $0x9;
	_ =	strace $0x8000004B  }
0xb3: {  	_ =	swait.ge [sflag:s29], $0x1  }
0xb4: {  	[sflag:s29] =	ssyncadd.s32 $0xFFFFFFFF  }
0xb5: {  	_ =	strace $0x9000004B  }
0xb6: {  	_ =	sfence  }
0xb7: {  	s30 =	sld [smem:$0x0];
	_ =	sdelay $0x2  }
0xb8: {  	s31 =	sshll.u32 s1, $0xD;
	s1 =	sshrl.u32 s1, $0x2  }
0xb9: {  	s3 =	sand.u32 $0x4000, s31;
	s1 =	sadd.s32 s1, s30  }
0xba: {  	s0 =	sor.u32 s3, s0;
	s1 =	sshll.u32 s1, $0x11  }
0xbb: {  	s0 =	sor.u32 s1, s0  }
0xbc: {  	s0 =	sadd.s32 $0x8F2B, s0  }
0xbd: {  	[sflag:s0] =	ssyncadd.remote.s32 $0x1  }
0xbe: {  	_ =	sfence.sel $0xFFFF  }
0xbf: {  	[dreg:$0x0] =	wrdreg $0xFFFFFFFF;
	(pc) =	sbr.abs _section_cstart, $3  }
0xc0: {  	[dreg:$0x1] =	wrdreg $0xFFFFFFFF  }
0xc1: {  	_ =	task.clear_ibuf [dreg:s7], $0x2FFFF;
	_ =	strace $0x9FFFFFFF  }
0xc2: {  	(tm) =	ssettm $0x7FFFFFFF  }
0xc3: {  	_ =	shalt  }
tec
execute0_lowered:
.L_overlay_start_1:
0x0: {  	(tag) =	ssettag $0x1  }
0x1: {  	s4 =	rddreg [dreg:$0x0];
	s1 =	srdreg.scid  }
0x2: {  	s0 =	stileid.u32;
	s6 =	rddreg [dreg:$0x1]  }
0x3: {  	s2 =	simm.s32 $0x0;
	s10 =	simm.s32 $0x80;
	s11 =	simm.s32 $0x1  }
0x4: {  	s12 =	simm.s32 $0xC810;
	s3 =	sand.u32 $0x1, s1;
	s1 =	rddreg [dreg:$0x2]  }
0x5: {  	s13 =	simm.s32 $0x0;
	s5 =	sshll.u32 s0, $0x1;
	[smem:$0x7FF] =	sst s2  }
0x6: {  	s5 =	sor.u32 s3, s5;
	_ =	strace $0x8000004A;
	s8 =	ssub.s32 $0x2, s3  }
0x7: {  	s7 =	smul.u32 $0xC80, s5;
	s9 =	sshrl.u32 s8, $0x1;
	s31 =	sshll.u32 s5, $0x4  }
0x8: {  	s3 =	sadd.s32 $0xC00, s4;
	s8 =	ssub.s32 s8, s9;
	s6 =	sadd.s32 s6, s31  }
0x9: {  	s9 =	simm.s32 $0x6400;
	s7 =	sadd.s32 s7, s4;
	s4 =	sadd.s32 $0xF43200, s4  }
0xa: {  	vm0 =	vmmov $0xff;
	v0 =	vlaneseq.u32;
	s5 =	sadd.s32 $0xF61C00, s7;
	s7 =	smax.u32 s8, $0x1;
	s8 =	simm.s32 $0x2  }
.LBB2_1:
0xb: {  	[tilespmem:s2], [sflag:$0x2] =	stream.linear.gather [hbm4b:s5+s2], $0x6400, $0x38;
	[tilespmem:$0xC890] =	vst v63  }
0xc: {  	_ =	swait.ge [sflag:s8], $0x6400  }
0xd: {  	[sflag:s8] =	ssyncset.done $0x0  }
0xe: {  	[sflag:s8] =	ssyncadd.s32 $0xFFFF9C00  }
0xf: {  	[tilespmem:s9], [sflag:$0x2] =	stream.linear.gather [hbm4b:s3+s2], $0x10, $0x38;
	[tilespmem:$0xC890] =	vst v63  }
0x10: {  	_ =	swait.ge [sflag:s8], $0x10  }
0x11: {  	[sflag:s8] =	ssyncset.done $0x0  }
0x12: {  	[sflag:s8] =	ssyncadd.s32 $0xFFFFFFF0  }
0x13: {  	s14 =	simm.s32 $0x200;
	s15 =	simm.s32 $0x0;
	s16 =	simm.s32 $0x6410;
	v1 =	vld [tilespmem:$0x6400]  }
.LBB2_2:
0x14: {  	[tilespmem:s16], [sflag:$0x1] =	stream.indirect.gather [hbm4b:s4+s10], $0x1, s15, s10, $0xb8;
	[tilespmem:$0xC890] =	vst v63  }
0x15: {  	s15 =	smov.u32 s14;
	p0 =	sne.s32 s14, $0x18E00  }
.Ltmp0:
0x16: {  	s14 =	sadd.s32 $0x200, s14;
	(pc) =	sbr.rel @p0 .LBB2_2-.Ltmp0, $3  }
0x17: {  	_ =	sdelay $0x1  }
0x18: {  	s15 =	sshra.s32 s15, $0x2  }
0x19: {  	s16 =	sadd.s32 $0x6410, s15  }
0x1a: {  	[tilespmem:s16], [sflag:$0x1] =	stream.indirect.gather [hbm4b:s4+s10], $0x1, s15, s10, $0xb8;
	[tilespmem:$0xC890] =	vst v63  }
0x1b: {  	_ =	swait.ge [sflag:s11], $0x6400  }
0x1c: {  	[sflag:s11] =	ssyncset.done $0x0  }
0x1d: {  	s14 =	simm.s32 $0x6470;
	[sflag:s11] =	ssyncadd.s32 $0xFFFF9C00  }
0x1e: {  	v2 =	vld [tilespmem:s14+$0xFFFFFFA0];
	_ =	sdelay $0x1  }
0x1f: {  	v3 =	vld [tilespmem:s14+$0xFFFFFFB0];
	_ =	sdelay $0x1  }
0x20: {  	v4 =	vld [tilespmem:s14+$0xFFFFFFC0]  }
0x21: {  	v2 =	vadd.f32 $0.0e+00, v2  }
0x22: {  	v5 =	vld [tilespmem:s14+$0xFFFFFFD0]  }
0x23: {  	v2 =	vadd.f32 v3, v2  }
0x24: {  	v3 =	vld [tilespmem:s14+$0xFFFFFFE0]  }
0x25: {  	v2 =	vadd.f32 v4, v2  }
0x26: {  	v57 =	vld [tilespmem:s14+$0xFFFFFFF0]  }
0x27: {  	v2 =	vadd.f32 v5, v2  }
0x28: {  	v58 =	vld [tilespmem:s14+$0x0]  }
0x29: {  	v2 =	vadd.f32 v3, v2  }
0x2a: {  	v3 =	vld [tilespmem:s14+$0x10]  }
0x2b: {  	v2 =	vadd.f32 v57, v2  }
0x2c: {  	v59 =	vld [tilespmem:s14+$0x20]  }
0x2d: {  	v2 =	vadd.f32 v58, v2  }
0x2e: {  	v60 =	vld [tilespmem:s14+$0x30]  }
0x2f: {  	v2 =	vadd.f32 v3, v2  }
0x30: {  	v3 =	vld [tilespmem:s14+$0x40]  }
0x31: {  	v2 =	vadd.f32 v59, v2  }
0x32: {  	v61 =	vld [tilespmem:s14+$0x50]  }
0x33: {  	v62 =	vld [tilespmem:s14+$0x58];
	v2 =	vadd.f32 v60, v2;
	_ =	sdelay $0x1  }
0x34: {  	v2 =	vadd.f32 v3, v2;
	_ =	sdelay $0x1  }
0x35: {  	v2 =	vadd.f32 v61, v2  }
0x36: {  	v3 =	vsel vm0, $0x0, v62  }
0x37: {  	v2 =	vadd.f32 v3, v2;
	_ =	sdelay $0x1  }
0x38: {  	(xrf2) =	vadd.scan.msk.f32 $0xffff, v2;
	_ =	sdelay $0x8  }
0x39: {  	s14 =	simm.s32 $0x0  }
0x3a: {  	s31 =	sand.u32 $0xF, s14;
	v2, _, _ =	vpop (xrf2)  }
0x3b: {  	p0 =	sne.s32 s31, $0xF;
	v3 =	vmov s31;
	v2 =	vbroadcast v2, $0xF  }
0x3c: {  	v63 =	vimm.f32 $0.0e+00;
	s15 =	sand.u32 @!p0 $0x1C0, s14;
	vm1 =	veq.s32 v3, v0  }
0x3d: {  	s16 =	sshrl.u32 @!p0 s15, $0x2;
	v2 =	vsel vm1, v2, v63  }
0x3e: {  	s15 =	simm.s32 $0x1;
	[tilespmem:s16+$0xC810] =	vst @!p0 v2;
	s16 =	simm.s32 $0x6538  }
.LBB2_4:
0x3f: {  	v3 =	vld [tilespmem:s16+$0xFFFFFFA0];
	s17 =	smov.u32 s15;
	s15 =	sadd.s32 $0x1, s15  }
0x40: {  	p0 =	sne.s32 s15, $0x80  }
0x41: {  	v4 =	vld [tilespmem:s16+$0xFFFFFFB0];
	_ =	sdelay $0x1  }
0x42: {  	v5 =	vld [tilespmem:s16+$0xFFFFFFC0]  }
0x43: {  	v3 =	vadd.f32 $0.0e+00, v3  }
0x44: {  	v6 =	vld [tilespmem:s16+$0xFFFFFFD0]  }
0x45: {  	v3 =	vadd.f32 v4, v3  }
0x46: {  	v4 =	vld [tilespmem:s16+$0xFFFFFFE0]  }
0x47: {  	v3 =	vadd.f32 v5, v3  }
0x48: {  	v5 =	vld [tilespmem:s16+$0xFFFFFFF0]  }
0x49: {  	v3 =	vadd.f32 v6, v3  }
0x4a: {  	v6 =	vld [tilespmem:s16+$0x0]  }
0x4b: {  	v3 =	vadd.f32 v4, v3  }
0x4c: {  	v4 =	vld [tilespmem:s16+$0x10]  }
0x4d: {  	v3 =	vadd.f32 v5, v3  }
0x4e: {  	v5 =	vld [tilespmem:s16+$0x20]  }
0x4f: {  	v3 =	vadd.f32 v6, v3  }
0x50: {  	v6 =	vld [tilespmem:s16+$0x30]  }
0x51: {  	v3 =	vadd.f32 v4, v3  }
0x52: {  	v4 =	vld [tilespmem:s16+$0x40]  }
0x53: {  	v3 =	vadd.f32 v5, v3  }
0x54: {  	v5 =	vld [tilespmem:s16+$0x50]  }
0x55: {  	v3 =	vadd.f32 v6, v3;
	v6 =	vld [tilespmem:s16+$0x58];
	_ =	sdelay $0x1  }
0x56: {  	v3 =	vadd.f32 v4, v3;
	_ =	sdelay $0x1  }
0x57: {  	v3 =	vadd.f32 v5, v3  }
0x58: {  	v4 =	vsel vm0, $0x0, v6  }
0x59: {  	v3 =	vadd.f32 v4, v3;
	_ =	sdelay $0x1  }
0x5a: {  	(xrf2) =	vadd.scan.msk.f32 $0xffff, v3;
	_ =	sdelay $0x9  }
.Ltmp1:
0x5b: {  	s17 =	sand.u32 $0xF, s17;
	v3, _, _ =	vpop (xrf2);
	(pc) =	sbr.rel @p0 .LBB2_4-.Ltmp1, $4  }
0x5c: {  	s14 =	sadd.s32 $0x4, s14;
	p1 =	sne.s32 s17, $0xF;
	v4 =	vmov s17;
	v3 =	vbroadcast v3, $0xF  }
0x5d: {  	s17 =	sand.u32 @!p1 $0x1C0, s14;
	vm1 =	veq.s32 v4, v0  }
0x5e: {  	s17 =	sshrl.u32 @!p1 s17, $0x2;
	v2 =	vsel vm1, v3, v2  }
0x5f: {  	s16 =	sadd.s32 $0xC8, s16;
	[tilespmem:s17+$0xC810] =	vst @!p1 v2  }
0x60: {  	v2 =	vld [tilespmem:$0xC810];
	_ =	sdelay $0x4  }
0x61: {  	v2 =	vadd.f32 v2, v1;
	_ =	sdelay $0x1  }
0x62: {  	v2 =	vsub.f32 $0.0e+00, v2;
	_ =	sdelay $0x1  }
0x63: {  	v2 =	vmul.f32 $1.442695020e+00, v2;
	_ =	sdelay $0x1  }
0x64: {  	(erf) = vpow2.f32 v2;
	_ =	sdelay $0x1  }
0x65: {  	v2 =	vld [tilespmem:$0xC820];
	_ =	sdelay $0x4  }
0x66: {  	v2 =	vadd.f32 v2, v1;
	_ =	sdelay $0x1  }
0x67: {  	v2 =	vsub.f32 $0.0e+00, v2;
	v3 =	vpop (erf)  }
0x68: {  	v3 =	vadd.f32 $1.000000000e+00, v3  }
0x69: {  	v2 =	vmul.f32 $1.442695020e+00, v2  }
0x6a: {  	(erf) = vrcp.f32 v3  }
0x6b: {  	(erf) = vpow2.f32 v2;
	_ =	sdelay $0x1  }
0x6c: {  	v2 =	vld [tilespmem:$0xC830];
	_ =	sdelay $0x4  }
0x6d: {  	v2 =	vadd.f32 v2, v1  }
0x6e: {  	v3 =	vpop (erf)  }
0x6f: {  	v2 =	vsub.f32 $0.0e+00, v2;
	v4 =	vpop (erf)  }
0x70: {  	v4 =	vadd.f32 $1.000000000e+00, v4  }
0x71: {  	v2 =	vmul.f32 $1.442695020e+00, v2  }
0x72: {  	(erf) = vrcp.f32 v4  }
0x73: {  	(erf) = vpow2.f32 v2;
	_ =	sdelay $0x1  }
0x74: {  	v2 =	vld [tilespmem:$0xC840];
	_ =	sdelay $0x4  }
0x75: {  	v2 =	vadd.f32 v2, v1  }
0x76: {  	v4 =	vpop (erf)  }
0x77: {  	v2 =	vsub.f32 $0.0e+00, v2;
	v5 =	vpop (erf)  }
0x78: {  	v5 =	vadd.f32 $1.000000000e+00, v5  }
0x79: {  	v2 =	vmul.f32 $1.442695020e+00, v2  }
0x7a: {  	(erf) = vrcp.f32 v5  }
0x7b: {  	(erf) = vpow2.f32 v2;
	_ =	sdelay $0x1  }
0x7c: {  	v2 =	vld [tilespmem:$0xC850];
	_ =	sdelay $0x4  }
0x7d: {  	v2 =	vadd.f32 v2, v1  }
0x7e: {  	v5 =	vpop (erf)  }
0x7f: {  	v2 =	vsub.f32 $0.0e+00, v2;
	v6 =	vpop (erf)  }
0x80: {  	v6 =	vadd.f32 $1.000000000e+00, v6  }
0x81: {  	v2 =	vmul.f32 $1.442695020e+00, v2  }
0x82: {  	(erf) = vrcp.f32 v6  }
0x83: {  	(erf) = vpow2.f32 v2;
	_ =	sdelay $0x1  }
0x84: {  	v2 =	vld [tilespmem:$0xC860];
	_ =	sdelay $0x4  }
0x85: {  	v2 =	vadd.f32 v2, v1  }
0x86: {  	v6 =	vpop (erf)  }
0x87: {  	v2 =	vsub.f32 $0.0e+00, v2;
	v7 =	vpop (erf)  }
0x88: {  	v7 =	vadd.f32 $1.000000000e+00, v7  }
0x89: {  	v2 =	vmul.f32 $1.442695020e+00, v2  }
0x8a: {  	(erf) = vrcp.f32 v7  }
0x8b: {  	(erf) = vpow2.f32 v2;
	_ =	sdelay $0x1  }
0x8c: {  	v2 =	vld [tilespmem:$0xC870];
	_ =	sdelay $0x4  }
0x8d: {  	v2 =	vadd.f32 v2, v1  }
0x8e: {  	v7 =	vpop (erf)  }
0x8f: {  	v2 =	vsub.f32 $0.0e+00, v2;
	v8 =	vpop (erf)  }
0x90: {  	v8 =	vadd.f32 $1.000000000e+00, v8  }
0x91: {  	v2 =	vmul.f32 $1.442695020e+00, v2  }
0x92: {  	(erf) = vrcp.f32 v8  }
0x93: {  	(erf) = vpow2.f32 v2;
	_ =	sdelay $0x1  }
0x94: {  	v2 =	vld [tilespmem:$0xC880];
	_ =	sdelay $0x4  }
0x95: {  	v1 =	vadd.f32 v2, v1  }
0x96: {  	v2 =	vpop (erf)  }
0x97: {  	v1 =	vsub.f32 $0.0e+00, v1;
	v62 =	vpop (erf)  }
0x98: {  	v8 =	vadd.f32 $1.000000000e+00, v62  }
0x99: {  	v1 =	vmul.f32 $1.442695020e+00, v1  }
0x9a: {  	(erf) = vrcp.f32 v8  }
0x9b: {  	(erf) = vpow2.f32 v1;
	_ =	sdelay $0x7  }
0x9c: {  	v1 =	vpop (erf)  }
0x9d: {  	v63 =	vpop (erf)  }
0x9e: {  	v8 =	vadd.f32 $1.000000000e+00, v63;
	_ =	sdelay $0x1  }
0x9f: {  	(erf) = vrcp.f32 v8;
	_ =	sdelay $0x2  }
0xa0: {  	[tilespmem:$0xC810] =	vst v3  }
0xa1: {  	[tilespmem:$0xC820] =	vst v4  }
0xa2: {  	[tilespmem:$0xC830] =	vst v5  }
0xa3: {  	[tilespmem:$0xC840] =	vst v6  }
0xa4: {  	[tilespmem:$0xC850] =	vst v7  }
0xa5: {  	s13 =	sadd.s32 $0x1, s13;
	[tilespmem:$0xC860] =	vst v2  }
0xa6: {  	p0 =	sne.s32 s13, s7;
	[tilespmem:$0xC870] =	vst v1;
	v1 =	vpop (erf)  }
.Ltmp2:
0xa7: {  	[tilespmem:$0xC880] =	vst v1;
	(pc) =	sbr.rel @p0 .LBB2_1-.Ltmp2, $4  }
0xa8: {  	[hbm4b:s6+s2] =	stream.linear.scatter [tilespmem:s12], [sflag:$0x2], $0x80, $0x38;
	[tilespmem:$0xC890] =	vst v63  }
0xa9: {  	_ =	swait.ge [sflag:s8], $0x80  }
0xaa: {  	[sflag:s8] =	ssyncset.done $0x0  }
0xab: {  	[sflag:s8] =	ssyncadd.s32 $0xFFFFFF80  }
0xac: {  	_ =	sfence.sel $0x180000  }
0xad: {  	[bflag:$0x0] =	sbarrier.arrive $0xFFFF  }
0xae: {  	p0 =	sne.s32 s0, $0x0;
	_ =	strace $0x9000004A  }
0xaf: {  	s0 =	sadd.s32 @!p0 $0x100000, s1;
	[bflag:$0x2] =	sbarrier.arrive $0xFFFF  }
0xb0: {  	[sflag:s0] =	ssyncadd.tile.s32 @!p0 $0x1;
	_ =	shalt  }
.Lfunc_end2:
_tile_overlayer_lowered:
.L_overlay_start_2:
0xb1: {  	(tag) =	ssettag $0x2  }
0xb2: {  	s0 =	rddreg [dreg:$0x0];
	s2 =	stileid.u32  }
0xb3: {  	s1 =	rddreg [dreg:$0x1];
	p0 =	sne.s32 s2, $0x0  }
0xb4: {  	s3 =	rddreg [dreg:$0x2];
	[bflag:$0x3] =	sbarrier.arrive $0xFFFF;
	s2 =	simm.s32 @!p0 $0x1C02  }
0xb5: {  	[timem:s3], [sflag:s2] =	dma.local @!p0 [hbm:s0], s1  }
0xb6: {  	s0 =	simm.s32 @!p0 $0x2  }
0xb7: {  	_ =	swait.ge @!p0 [sflag:s0], s1  }
0xb8: {  	s1 =	ssub.s32 @!p0 $0x0, s1;
	[sflag:s0] =	ssyncset.done @!p0 $0x0  }
0xb9: {  	[sflag:s0] =	ssyncadd.s32 @!p0 s1  }
0xba: {  	[bflag:$0x3] =	sbarrier.arrive $0xFFFF  }
0xbb: {  	_ =	shalt  }

</sc_bundles>
